<compile_context>
chip_gen: v7x
topology: tpu7x:2x2x1
jax: 0.10.2.dev20260603
libtpu: 0.0.44.dev20260713+nightly
codegen_flags: <defaults>
</compile_context>

<pallas_src>
import functools

import jax
import jax.numpy as jnp
from jax import lax
from jax.experimental import pallas as pl
from jax.experimental.pallas import tpu as pltpu
from jax.experimental.pallas import tpu_sc as plsc

N = 10000
E = 320000
D = 128
T = 3

NC = 2
NS = 16
NW = NC * NS
CHUNK = 128
NCHUNK = 80
NPHASE = 2
PCHUNK = NCHUNK // NPHASE
EPW = CHUNK * NCHUNK
EPAD = EPW * NW
RPT = 624
TAIL = N - NS * RPT

BN = 1000
NB = N // BN
NR = N + BN



def _transform_body(attn_ref, x_ref, w_ref, b_ref, o_ref):
    t = pl.program_id(0)
    a0, a1, a2, a3 = attn_ref[0], attn_ref[1], attn_ref[2], attn_ref[3]
    m = jnp.maximum(jnp.maximum(a0, a1), jnp.maximum(a2, a3))
    denom = (jnp.exp(a0 - m) + jnp.exp(a1 - m)
             + jnp.exp(a2 - m) + jnp.exp(a3 - m))
    wt = jnp.exp(attn_ref[t] - m) / denom
    y = lax.dot_general(x_ref[...], w_ref[0], (((1,), (1,)), ((), ())),
                        preferred_element_type=jnp.float32)
    val = (y + b_ref[0]) * wt
    o_ref[0] = jnp.where(pl.program_id(1) < NB, val, 0.0)


def _transform(attn, x, wstack, bstack):
    return pl.pallas_call(
        _transform_body,
        grid=(T + 1, NB + 1),
        in_specs=[
            pl.BlockSpec(memory_space=pltpu.SMEM),
            pl.BlockSpec((BN, D), lambda t, j: (jnp.minimum(j, NB - 1), 0)),
            pl.BlockSpec((1, D, D), lambda t, j: (t, 0, 0)),
            pl.BlockSpec((1, 1, D), lambda t, j: (t, 0, 0)),
        ],
        out_specs=pl.BlockSpec((1, BN, D), lambda t, j: (t, j, 0)),
        out_shape=jax.ShapeDtypeStruct((T + 1, NR, D), jnp.float32),
    )(attn, x, wstack, bstack)



def _edge_body(g_hbm, gidx_hbm, didx_hbm, zeros_hbm, out_hbm,
               gidx_v, didx_v, rows0_v, rows1_v, sem0, sem1, acc_sh):
    cid = lax.axis_index("c")
    sid = lax.axis_index("s")
    wid = cid * NS + sid

    pltpu.sync_copy(zeros_hbm.at[pl.ds(sid * RPT, RPT)],
                    acc_sh.at[pl.ds(sid * RPT, RPT)])

    @pl.when(sid == NS - 1)
    def _():
        pltpu.sync_copy(zeros_hbm.at[pl.ds(NS * RPT, TAIL)],
                        acc_sh.at[pl.ds(NS * RPT, TAIL)])

    plsc.subcore_barrier()

    for phase in range(NPHASE):
        pltpu.sync_copy(gidx_hbm.at[wid, pl.ds(phase * PCHUNK, PCHUNK)],
                        gidx_v)
        pltpu.sync_copy(didx_hbm.at[wid, pl.ds(phase * PCHUNK, PCHUNK)],
                        didx_v)

        pltpu.async_copy(g_hbm.at[gidx_v.at[0]], rows0_v, sem0)
        pltpu.async_copy(g_hbm.at[gidx_v.at[1]], rows1_v, sem1)

        def pair(i, carry):
            j = 2 * i
            pltpu.make_async_copy(g_hbm.at[gidx_v.at[j]], rows0_v,
                                  sem0).wait()
            pltpu.sync_copy(rows0_v, acc_sh.at[didx_v.at[j]], add=True)

            @pl.when(j + 2 < PCHUNK)
            def _():
                pltpu.async_copy(g_hbm.at[gidx_v.at[j + 2]], rows0_v, sem0)

            pltpu.make_async_copy(g_hbm.at[gidx_v.at[j + 1]], rows1_v,
                                  sem1).wait()
            pltpu.sync_copy(rows1_v, acc_sh.at[didx_v.at[j + 1]], add=True)

            @pl.when(j + 3 < PCHUNK)
            def _():
                pltpu.async_copy(g_hbm.at[gidx_v.at[j + 3]], rows1_v, sem1)

            return carry

        lax.fori_loop(0, PCHUNK // 2, pair, 0, unroll=False)

    plsc.subcore_barrier()
    pltpu.sync_copy(acc_sh.at[pl.ds(sid * RPT, RPT)],
                    out_hbm.at[cid, pl.ds(sid * RPT, RPT)])

    @pl.when(sid == NS - 1)
    def _():
        pltpu.sync_copy(acc_sh.at[pl.ds(NS * RPT, TAIL)],
                        out_hbm.at[cid, pl.ds(NS * RPT, TAIL)])


def _edge_pass(g, gidx3, didx3, zeros):
    mesh = plsc.VectorSubcoreMesh(core_axis_name="c", subcore_axis_name="s")
    run = pl.kernel(
        _edge_body,
        out_type=jax.ShapeDtypeStruct((NC, N, D), jnp.float32),
        mesh=mesh,
        scratch_types=[
            pltpu.VMEM((PCHUNK, CHUNK), jnp.int32),
            pltpu.VMEM((PCHUNK, CHUNK), jnp.int32),
            pltpu.VMEM((CHUNK, D), jnp.float32),
            pltpu.VMEM((CHUNK, D), jnp.float32),
            pltpu.SemaphoreType.DMA,
            pltpu.SemaphoreType.DMA,
            pltpu.VMEM_SHARED((N, D), jnp.float32),
        ],
    )
    return run(g, gidx3, didx3, zeros)



def _combine_body(acc_ref, g_ref, o_ref):
    y = acc_ref[0] + acc_ref[1] + g_ref[0]
    o_ref[...] = 0.5 * y * (1.0 + lax.erf(y * 0.7071067811865476))


def _combine(acc, g):
    return pl.pallas_call(
        _combine_body,
        grid=(N // BN,),
        in_specs=[
            pl.BlockSpec((NC, BN, D), lambda j: (0, j, 0)),
            pl.BlockSpec((1, BN, D), lambda j: (T, j, 0)),
        ],
        out_specs=pl.BlockSpec((BN, D), lambda j: (j, 0)),
        out_shape=jax.ShapeDtypeStruct((N, D), jnp.float32),
    )(acc, g)



@jax.jit
def kernel(x, edge_index, edge_types, W0, b0, W1, b1, W2, b2, Ws, bs, attn):
    wstack = jnp.stack([W0, W1, W2, Ws])
    bstack = jnp.stack([b0, b1, b2, bs]).reshape(T + 1, 1, D)

    g = _transform(attn, x, wstack, bstack)

    src = edge_index[0]
    dst = edge_index[1]
    pad = EPAD - E
    ii = jnp.arange(pad, dtype=jnp.int32)
    gidx = jnp.concatenate(
        [(edge_types * NR + src).astype(jnp.int32),
         (ii % 4) * NR + N + (ii // 4) % BN])
    didx = jnp.concatenate(
        [dst.astype(jnp.int32), jnp.arange(pad, dtype=jnp.int32) % N])
    gidx3 = gidx.reshape(NW, NCHUNK, CHUNK)
    didx3 = didx.reshape(NW, NCHUNK, CHUNK)
    zeros = jnp.zeros((N, D), jnp.float32)

    acc = _edge_pass(g.reshape((T + 1) * NR, D), gidx3, didx3, zeros)
    return _combine(acc, g)

# --- scband reference (transcript-rebuilt; emitter-appended) ---
"""Pipeline reference for scband-graph-conv-layer-69114613730766 (READ-ONLY COPY).

The authoritative reference and input builder live on the scoring server;
editing this copy changes nothing except your own understanding.
"""

import jax, jax.numpy as jnp
import numpy as np

N = 10000
E = 320000
D = 128
T = 3


def _xavier(key, fan_out, fan_in):
    limit = float(np.sqrt(6.0 / (fan_in + fan_out)))
    return jax.random.uniform(key, (fan_out, fan_in), dtype=jnp.float32, minval=-limit, maxval=limit)


def setup_inputs(seed: int = 0) -> dict:
    key = jax.random.key(seed)
    ks = jax.random.split(key, 8)
    x = jax.random.normal(ks[0], (N, D), dtype=jnp.float32)
    edge_index = jax.random.randint(ks[1], (2, E), 0, N, dtype=jnp.int32)
    edge_types = jax.random.randint(ks[2], (E,), 0, T, dtype=jnp.int32)
    W0 = _xavier(ks[3], D, D)
    W1 = _xavier(ks[4], D, D)
    W2 = _xavier(ks[5], D, D)
    Ws = _xavier(ks[6], D, D)
    b0 = jnp.zeros((D,), dtype=jnp.float32)
    b1 = jnp.zeros((D,), dtype=jnp.float32)
    b2 = jnp.zeros((D,), dtype=jnp.float32)
    bs = jnp.zeros((D,), dtype=jnp.float32)
    attn = jnp.ones((T + 1,), dtype=jnp.float32) / float(T + 1)
    return {"x": x, "edge_index": edge_index, "edge_types": edge_types,
            "W0": W0, "b0": b0, "W1": W1, "b1": b1, "W2": W2, "b2": b2,
            "Ws": Ws, "bs": bs, "attn": attn}


def reference(x, edge_index, edge_types, W0, b0, W1, b1, W2, b2, Ws, bs, attn):
    per_type = [(W0, b0), (W1, b1), (W2, b2)]
    src = edge_index[0]
    dst = edge_index[1]
    outputs = []
    for t, (W, b) in enumerate(per_type):
        mask = (edge_types == t).astype(x.dtype)
        transformed = (x[src] @ W.T + b) * mask[:, None]
        out_t = jnp.zeros_like(x).at[dst].add(transformed)
        outputs.append(out_t)
    self_out = x @ Ws.T + bs
    outputs.append(self_out)
    stacked = jnp.stack(outputs, axis=-1)
    w = jax.nn.softmax(attn, axis=0)
    out = jnp.sum(stacked * w, axis=-1)
    return jax.nn.gelu(out, approximate=False)

if __name__ == "__main__":
    import jax
    _d = setup_inputs()
    print(jax.jit(kernel)(*tuple(_d.values())))

</pallas_src>

<mosaic_0001>
#map = affine_map<(d0, d1) -> (0, 0)>
#map1 = affine_map<(d0, d1) -> (0, 0, 0)>
module attributes {stable_mosaic.version = 14 : i64} {
  func.func @_edge_body(%arg0: i32, %arg1: i32, %arg2: memref<44000x128xf32, #tpu.memory_space<hbm>>, %arg3: memref<32x80x128xi32, #tpu.memory_space<hbm>>, %arg4: memref<32x80x128xi32, #tpu.memory_space<hbm>>, %arg5: memref<10000x128xf32, #tpu.memory_space<hbm>>, %arg6: memref<2x10000x128xf32, #tpu.memory_space<hbm>>, %arg7: memref<40x128xi32, #tpu.memory_space<vmem>>, %arg8: memref<40x128xi32, #tpu.memory_space<vmem>>, %arg9: memref<128x128xf32, #tpu.memory_space<vmem>>, %arg10: memref<128x128xf32, #tpu.memory_space<vmem>>, %arg11: memref<!tpu.dma_semaphore, #tpu.memory_space<semaphore_mem>>, %arg12: memref<!tpu.dma_semaphore, #tpu.memory_space<semaphore_mem>>, %arg13: memref<10000x128xf32, #tpu.memory_space<vmem_shared>>) attributes {dimension_semantics = [#tpu.dimension_semantics<core_parallel>, #tpu.dimension_semantics<subcore_parallel>], iteration_bounds = array<i64: 2, 16>, scalar_prefetch = 0 : i64, scratch_operands = 7 : i64, tpu.core_type = #tpu.core_type<sc_vector_subcore>, window_params = [{transform_indices = #map}, {transform_indices = #map1}, {transform_indices = #map1}, {transform_indices = #map}, {transform_indices = #map1}]} {
    %mul3A = arith.constant 16 : i32
    %mul3A_0 = arith.muli %arg0, %mul3A : i32
    %add3A = arith.addi %mul3A_0, %arg1 : i32
    %mul3A_1 = arith.constant 624 : i32
    %mul3A_2 = arith.muli %arg1, %mul3A_1 : i32
    %mul3A_3 = arith.constant 624 : i32
    %mul3A_4 = arith.muli %arg1, %mul3A_3 : i32
    "tpu.region"() ({
      %run_scoped3A = tpu.sem_alloc : memref<!tpu.dma_semaphore, #tpu.memory_space<semaphore_mem>>
      %dma_start3A_55 = arith.constant 0 : i32
      %dma_start3A_56 = tpu.memref_slice %arg13[%mul3A_4, %dma_start3A_55] : memref<10000x128xf32, #tpu.memory_space<vmem_shared>> -> memref<624x128xf32, #tpu.memory_space<vmem_shared>>
      %dma_start3A_57 = arith.constant 0 : i32
      %dma_start3A_58 = tpu.memref_slice %arg5[%mul3A_2, %dma_start3A_57] : memref<10000x128xf32, #tpu.memory_space<hbm>> -> memref<624x128xf32, #tpu.memory_space<hbm>>
      tpu.enqueue_dma source(%dma_start3A_58 : memref<624x128xf32, #tpu.memory_space<hbm>>) target(%dma_start3A_56 : memref<624x128xf32, #tpu.memory_space<vmem_shared>>) target_semaphore(%run_scoped3A : memref<!tpu.dma_semaphore, #tpu.memory_space<semaphore_mem>>)
      %dma_wait3A = arith.constant 0 : i32
      %dma_wait3A_59 = tpu.memref_slice %arg13[%mul3A_4, %dma_wait3A] : memref<10000x128xf32, #tpu.memory_space<vmem_shared>> -> memref<624x128xf32, #tpu.memory_space<vmem_shared>>
      %dma_wait3A_60 = arith.constant 0 : i32
      %dma_wait3A_61 = tpu.memref_slice %arg5[%mul3A_2, %dma_wait3A_60] : memref<10000x128xf32, #tpu.memory_space<hbm>> -> memref<624x128xf32, #tpu.memory_space<hbm>>
      tpu.wait_dma2 semaphore(%run_scoped3A : memref<!tpu.dma_semaphore, #tpu.memory_space<semaphore_mem>>) src(%dma_wait3A_61 : memref<624x128xf32, #tpu.memory_space<hbm>>) dst(%dma_wait3A_59 : memref<624x128xf32, #tpu.memory_space<vmem_shared>>)
      tpu.yield
    }) : () -> ()
    %eq3A = arith.constant 15 : i32
    %eq3A_5 = arith.cmpi eq, %arg1, %eq3A : i32
    %convert_element_type3A = arith.extui %eq3A_5 : i1 to i32
    %cond3A = arith.constant 0 : i32
    %cond3A_6 = arith.cmpi ne, %convert_element_type3A, %cond3A : i32
    scf.if %cond3A_6 {
      "tpu.region"() ({
        %run_scoped3A = tpu.sem_alloc : memref<!tpu.dma_semaphore, #tpu.memory_space<semaphore_mem>>
        %dma_start3A_55 = arith.constant 9984 : i32
        %dma_start3A_56 = arith.constant 0 : i32
        %dma_start3A_57 = tpu.memref_slice %arg13[%dma_start3A_55, %dma_start3A_56] : memref<10000x128xf32, #tpu.memory_space<vmem_shared>> -> memref<16x128xf32, #tpu.memory_space<vmem_shared>>
        %dma_start3A_58 = arith.constant 9984 : i32
        %dma_start3A_59 = arith.constant 0 : i32
        %dma_start3A_60 = tpu.memref_slice %arg5[%dma_start3A_58, %dma_start3A_59] : memref<10000x128xf32, #tpu.memory_space<hbm>> -> memref<16x128xf32, #tpu.memory_space<hbm>>
        tpu.enqueue_dma source(%dma_start3A_60 : memref<16x128xf32, #tpu.memory_space<hbm>>) target(%dma_start3A_57 : memref<16x128xf32, #tpu.memory_space<vmem_shared>>) target_semaphore(%run_scoped3A : memref<!tpu.dma_semaphore, #tpu.memory_space<semaphore_mem>>)
        %dma_wait3A = arith.constant 9984 : i32
        %dma_wait3A_61 = arith.constant 0 : i32
        %dma_wait3A_62 = tpu.memref_slice %arg13[%dma_wait3A, %dma_wait3A_61] : memref<10000x128xf32, #tpu.memory_space<vmem_shared>> -> memref<16x128xf32, #tpu.memory_space<vmem_shared>>
        %dma_wait3A_63 = arith.constant 9984 : i32
        %dma_wait3A_64 = arith.constant 0 : i32
        %dma_wait3A_65 = tpu.memref_slice %arg5[%dma_wait3A_63, %dma_wait3A_64] : memref<10000x128xf32, #tpu.memory_space<hbm>> -> memref<16x128xf32, #tpu.memory_space<hbm>>
        tpu.wait_dma2 semaphore(%run_scoped3A : memref<!tpu.dma_semaphore, #tpu.memory_space<semaphore_mem>>) src(%dma_wait3A_65 : memref<16x128xf32, #tpu.memory_space<hbm>>) dst(%dma_wait3A_62 : memref<16x128xf32, #tpu.memory_space<vmem_shared>>)
        tpu.yield
      }) : () -> ()
    } else {
    }
    %barrier3A = arith.constant 0 : index
    tpu.barrier barrier_id(%barrier3A)
    "tpu.region"() ({
      %run_scoped3A = tpu.sem_alloc : memref<!tpu.dma_semaphore, #tpu.memory_space<semaphore_mem>>
      %dma_start3A_55 = arith.constant 0 : i32
      %dma_start3A_56 = arith.constant 0 : i32
      %dma_start3A_57 = tpu.memref_slice %arg3[%add3A, %dma_start3A_55, %dma_start3A_56] : memref<32x80x128xi32, #tpu.memory_space<hbm>> -> memref<1x40x128xi32, #tpu.memory_space<hbm>>
      %dma_start3A_58 = tpu.memref_squeeze %dma_start3A_57 : memref<1x40x128xi32, #tpu.memory_space<hbm>> -> memref<40x128xi32, #tpu.memory_space<hbm>>
      %dma_start3A_59 = arith.constant 0 : i32
      %dma_start3A_60 = arith.constant 0 : i32
      %dma_start3A_61 = tpu.memref_slice %arg3[%add3A, %dma_start3A_59, %dma_start3A_60] : memref<32x80x128xi32, #tpu.memory_space<hbm>> -> memref<1x40x128xi32, #tpu.memory_space<hbm>>
      %dma_start3A_62 = tpu.memref_squeeze %dma_start3A_61 : memref<1x40x128xi32, #tpu.memory_space<hbm>> -> memref<40x128xi32, #tpu.memory_space<hbm>>
      tpu.enqueue_dma source(%dma_start3A_62 : memref<40x128xi32, #tpu.memory_space<hbm>>) target(%arg7 : memref<40x128xi32, #tpu.memory_space<vmem>>) target_semaphore(%run_scoped3A : memref<!tpu.dma_semaphore, #tpu.memory_space<semaphore_mem>>)
      %dma_wait3A = arith.constant 0 : i32
      %dma_wait3A_63 = arith.constant 0 : i32
      %dma_wait3A_64 = tpu.memref_slice %arg3[%add3A, %dma_wait3A, %dma_wait3A_63] : memref<32x80x128xi32, #tpu.memory_space<hbm>> -> memref<1x40x128xi32, #tpu.memory_space<hbm>>
      %dma_wait3A_65 = tpu.memref_squeeze %dma_wait3A_64 : memref<1x40x128xi32, #tpu.memory_space<hbm>> -> memref<40x128xi32, #tpu.memory_space<hbm>>
      %dma_wait3A_66 = arith.constant 0 : i32
      %dma_wait3A_67 = arith.constant 0 : i32
      %dma_wait3A_68 = tpu.memref_slice %arg3[%add3A, %dma_wait3A_66, %dma_wait3A_67] : memref<32x80x128xi32, #tpu.memory_space<hbm>> -> memref<1x40x128xi32, #tpu.memory_space<hbm>>
      %dma_wait3A_69 = tpu.memref_squeeze %dma_wait3A_68 : memref<1x40x128xi32, #tpu.memory_space<hbm>> -> memref<40x128xi32, #tpu.memory_space<hbm>>
      tpu.wait_dma2 semaphore(%run_scoped3A : memref<!tpu.dma_semaphore, #tpu.memory_space<semaphore_mem>>) src(%dma_wait3A_69 : memref<40x128xi32, #tpu.memory_space<hbm>>) dst(%arg7 : memref<40x128xi32, #tpu.memory_space<vmem>>)
      tpu.yield
    }) : () -> ()
    "tpu.region"() ({
      %run_scoped3A = tpu.sem_alloc : memref<!tpu.dma_semaphore, #tpu.memory_space<semaphore_mem>>
      %dma_start3A_55 = arith.constant 0 : i32
      %dma_start3A_56 = arith.constant 0 : i32
      %dma_start3A_57 = tpu.memref_slice %arg4[%add3A, %dma_start3A_55, %dma_start3A_56] : memref<32x80x128xi32, #tpu.memory_space<hbm>> -> memref<1x40x128xi32, #tpu.memory_space<hbm>>
      %dma_start3A_58 = tpu.memref_squeeze %dma_start3A_57 : memref<1x40x128xi32, #tpu.memory_space<hbm>> -> memref<40x128xi32, #tpu.memory_space<hbm>>
      %dma_start3A_59 = arith.constant 0 : i32
      %dma_start3A_60 = arith.constant 0 : i32
      %dma_start3A_61 = tpu.memref_slice %arg4[%add3A, %dma_start3A_59, %dma_start3A_60] : memref<32x80x128xi32, #tpu.memory_space<hbm>> -> memref<1x40x128xi32, #tpu.memory_space<hbm>>
      %dma_start3A_62 = tpu.memref_squeeze %dma_start3A_61 : memref<1x40x128xi32, #tpu.memory_space<hbm>> -> memref<40x128xi32, #tpu.memory_space<hbm>>
      tpu.enqueue_dma source(%dma_start3A_62 : memref<40x128xi32, #tpu.memory_space<hbm>>) target(%arg8 : memref<40x128xi32, #tpu.memory_space<vmem>>) target_semaphore(%run_scoped3A : memref<!tpu.dma_semaphore, #tpu.memory_space<semaphore_mem>>)
      %dma_wait3A = arith.constant 0 : i32
      %dma_wait3A_63 = arith.constant 0 : i32
      %dma_wait3A_64 = tpu.memref_slice %arg4[%add3A, %dma_wait3A, %dma_wait3A_63] : memref<32x80x128xi32, #tpu.memory_space<hbm>> -> memref<1x40x128xi32, #tpu.memory_space<hbm>>
      %dma_wait3A_65 = tpu.memref_squeeze %dma_wait3A_64 : memref<1x40x128xi32, #tpu.memory_space<hbm>> -> memref<40x128xi32, #tpu.memory_space<hbm>>
      %dma_wait3A_66 = arith.constant 0 : i32
      %dma_wait3A_67 = arith.constant 0 : i32
      %dma_wait3A_68 = tpu.memref_slice %arg4[%add3A, %dma_wait3A_66, %dma_wait3A_67] : memref<32x80x128xi32, #tpu.memory_space<hbm>> -> memref<1x40x128xi32, #tpu.memory_space<hbm>>
      %dma_wait3A_69 = tpu.memref_squeeze %dma_wait3A_68 : memref<1x40x128xi32, #tpu.memory_space<hbm>> -> memref<40x128xi32, #tpu.memory_space<hbm>>
      tpu.wait_dma2 semaphore(%run_scoped3A : memref<!tpu.dma_semaphore, #tpu.memory_space<semaphore_mem>>) src(%dma_wait3A_69 : memref<40x128xi32, #tpu.memory_space<hbm>>) dst(%arg8 : memref<40x128xi32, #tpu.memory_space<vmem>>)
      tpu.yield
    }) : () -> ()
    %dma_start3A = arith.constant 0 : i32
    %dma_start3A_7 = arith.constant 0 : i32
    %dma_start3A_8 = tpu.memref_slice %arg7[%dma_start3A, %dma_start3A_7] : memref<40x128xi32, #tpu.memory_space<vmem>> -> memref<1x128xi32, #tpu.memory_space<vmem>>
    %dma_start3A_9 = tpu.memref_squeeze %dma_start3A_8 : memref<1x128xi32, #tpu.memory_space<vmem>> -> memref<128xi32, #tpu.memory_space<vmem>>
    %dma_start3A_10 = arith.constant 0 : i32
    %dma_start3A_11 = arith.constant 0 : i32
    %dma_start3A_12 = tpu.memref_slice %arg2[%dma_start3A_10, %dma_start3A_11] : memref<44000x128xf32, #tpu.memory_space<hbm>> -> memref<44000x128xf32, #tpu.memory_space<hbm>>
    tpu.enqueue_indirect_dma source(%dma_start3A_12 : memref<44000x128xf32, #tpu.memory_space<hbm>>) target(%arg9 : memref<128x128xf32, #tpu.memory_space<vmem>>) offsets(%dma_start3A_9 : memref<128xi32, #tpu.memory_space<vmem>>) semaphore(%arg11 : memref<!tpu.dma_semaphore, #tpu.memory_space<semaphore_mem>>)
    %dma_start3A_13 = arith.constant 1 : i32
    %dma_start3A_14 = arith.constant 0 : i32
    %dma_start3A_15 = tpu.memref_slice %arg7[%dma_start3A_13, %dma_start3A_14] : memref<40x128xi32, #tpu.memory_space<vmem>> -> memref<1x128xi32, #tpu.memory_space<vmem>>
    %dma_start3A_16 = tpu.memref_squeeze %dma_start3A_15 : memref<1x128xi32, #tpu.memory_space<vmem>> -> memref<128xi32, #tpu.memory_space<vmem>>
    %dma_start3A_17 = arith.constant 0 : i32
    %dma_start3A_18 = arith.constant 0 : i32
    %dma_start3A_19 = tpu.memref_slice %arg2[%dma_start3A_17, %dma_start3A_18] : memref<44000x128xf32, #tpu.memory_space<hbm>> -> memref<44000x128xf32, #tpu.memory_space<hbm>>
    tpu.enqueue_indirect_dma source(%dma_start3A_19 : memref<44000x128xf32, #tpu.memory_space<hbm>>) target(%arg10 : memref<128x128xf32, #tpu.memory_space<vmem>>) offsets(%dma_start3A_16 : memref<128xi32, #tpu.memory_space<vmem>>) semaphore(%arg12 : memref<!tpu.dma_semaphore, #tpu.memory_space<semaphore_mem>>)
    %scan3A = arith.constant 0 : i32
    %scan3A_20 = arith.constant 0 : i32
    %scan3A_21 = arith.constant 20 : i32
    %scan3A_22 = arith.addi %scan3A_20, %scan3A_21 : i32
    %scan3A_23 = arith.constant 1 : i32
    scf.for %scan3A_55 = %scan3A_20 to %scan3A_22 step %scan3A_23  : i32 {
      %mul3A_56 = arith.constant 2 : i32
      %mul3A_57 = arith.muli %mul3A_56, %scan3A_55 : i32
      %dma_wait3A = arith.constant 0 : i32
      %dma_wait3A_58 = tpu.memref_slice %arg7[%mul3A_57, %dma_wait3A] : memref<40x128xi32, #tpu.memory_space<vmem>> -> memref<1x128xi32, #tpu.memory_space<vmem>>
      %dma_wait3A_59 = tpu.memref_squeeze %dma_wait3A_58 : memref<1x128xi32, #tpu.memory_space<vmem>> -> memref<128xi32, #tpu.memory_space<vmem>>
      %dma_wait3A_60 = arith.constant 0 : i32
      %dma_wait3A_61 = arith.constant 0 : i32
      %dma_wait3A_62 = tpu.memref_slice %arg2[%dma_wait3A_60, %dma_wait3A_61] : memref<44000x128xf32, #tpu.memory_space<hbm>> -> memref<44000x128xf32, #tpu.memory_space<hbm>>
      tpu.wait_indirect_dma semaphore(%arg11 : memref<!tpu.dma_semaphore, #tpu.memory_space<semaphore_mem>>) src(%dma_wait3A_62 : memref<44000x128xf32, #tpu.memory_space<hbm>>) dst(%arg9 : memref<128x128xf32, #tpu.memory_space<vmem>>)
      "tpu.region"() ({
        %run_scoped3A = tpu.sem_alloc : memref<!tpu.dma_semaphore, #tpu.memory_space<semaphore_mem>>
        %dma_start3A_86 = arith.constant 0 : i32
        %dma_start3A_87 = tpu.memref_slice %arg8[%mul3A_57, %dma_start3A_86] : memref<40x128xi32, #tpu.memory_space<vmem>> -> memref<1x128xi32, #tpu.memory_space<vmem>>
        %dma_start3A_88 = tpu.memref_squeeze %dma_start3A_87 : memref<1x128xi32, #tpu.memory_space<vmem>> -> memref<128xi32, #tpu.memory_space<vmem>>
        %dma_start3A_89 = arith.constant 0 : i32
        %dma_start3A_90 = arith.constant 0 : i32
        %dma_start3A_91 = tpu.memref_slice %arg13[%dma_start3A_89, %dma_start3A_90] : memref<10000x128xf32, #tpu.memory_space<vmem_shared>> -> memref<10000x128xf32, #tpu.memory_space<vmem_shared>>
        tpu.enqueue_indirect_dma source(%arg9 : memref<128x128xf32, #tpu.memory_space<vmem>>) target(%dma_start3A_91 : memref<10000x128xf32, #tpu.memory_space<vmem_shared>>) offsets(%dma_start3A_88 : memref<128xi32, #tpu.memory_space<vmem>>) semaphore(%run_scoped3A : memref<!tpu.dma_semaphore, #tpu.memory_space<semaphore_mem>>) {add = true}
        %dma_wait3A_92 = arith.constant 0 : i32
        %dma_wait3A_93 = tpu.memref_slice %arg8[%mul3A_57, %dma_wait3A_92] : memref<40x128xi32, #tpu.memory_space<vmem>> -> memref<1x128xi32, #tpu.memory_space<vmem>>
        %dma_wait3A_94 = tpu.memref_squeeze %dma_wait3A_93 : memref<1x128xi32, #tpu.memory_space<vmem>> -> memref<128xi32, #tpu.memory_space<vmem>>
        %dma_wait3A_95 = arith.constant 0 : i32
        %dma_wait3A_96 = arith.constant 0 : i32
        %dma_wait3A_97 = tpu.memref_slice %arg13[%dma_wait3A_95, %dma_wait3A_96] : memref<10000x128xf32, #tpu.memory_space<vmem_shared>> -> memref<10000x128xf32, #tpu.memory_space<vmem_shared>>
        tpu.wait_indirect_dma semaphore(%run_scoped3A : memref<!tpu.dma_semaphore, #tpu.memory_space<semaphore_mem>>) src(%arg9 : memref<128x128xf32, #tpu.memory_space<vmem>>) dst(%dma_wait3A_97 : memref<10000x128xf32, #tpu.memory_space<vmem_shared>>)
        tpu.yield
      }) : () -> ()
      %add3A_63 = arith.constant 2 : i32
      %add3A_64 = arith.addi %mul3A_57, %add3A_63 : i32
      %lt3A = arith.constant 40 : i32
      %lt3A_65 = arith.cmpi slt, %add3A_64, %lt3A : i32
      %convert_element_type3A_66 = arith.extui %lt3A_65 : i1 to i32
      %cond3A_67 = arith.constant 0 : i32
      %cond3A_68 = arith.cmpi ne, %convert_element_type3A_66, %cond3A_67 : i32
      scf.if %cond3A_68 {
        %add3A_86 = arith.constant 2 : i32
        %add3A_87 = arith.addi %mul3A_57, %add3A_86 : i32
        %dma_start3A_88 = arith.constant 0 : i32
        %dma_start3A_89 = tpu.memref_slice %arg7[%add3A_87, %dma_start3A_88] : memref<40x128xi32, #tpu.memory_space<vmem>> -> memref<1x128xi32, #tpu.memory_space<vmem>>
        %dma_start3A_90 = tpu.memref_squeeze %dma_start3A_89 : memref<1x128xi32, #tpu.memory_space<vmem>> -> memref<128xi32, #tpu.memory_space<vmem>>
        %dma_start3A_91 = arith.constant 0 : i32
        %dma_start3A_92 = arith.constant 0 : i32
        %dma_start3A_93 = tpu.memref_slice %arg2[%dma_start3A_91, %dma_start3A_92] : memref<44000x128xf32, #tpu.memory_space<hbm>> -> memref<44000x128xf32, #tpu.memory_space<hbm>>
        tpu.enqueue_indirect_dma source(%dma_start3A_93 : memref<44000x128xf32, #tpu.memory_space<hbm>>) target(%arg9 : memref<128x128xf32, #tpu.memory_space<vmem>>) offsets(%dma_start3A_90 : memref<128xi32, #tpu.memory_space<vmem>>) semaphore(%arg11 : memref<!tpu.dma_semaphore, #tpu.memory_space<semaphore_mem>>)
      } else {
      }
      %add3A_69 = arith.constant 1 : i32
      %add3A_70 = arith.addi %mul3A_57, %add3A_69 : i32
      %dma_wait3A_71 = arith.constant 0 : i32
      %dma_wait3A_72 = tpu.memref_slice %arg7[%add3A_70, %dma_wait3A_71] : memref<40x128xi32, #tpu.memory_space<vmem>> -> memref<1x128xi32, #tpu.memory_space<vmem>>
      %dma_wait3A_73 = tpu.memref_squeeze %dma_wait3A_72 : memref<1x128xi32, #tpu.memory_space<vmem>> -> memref<128xi32, #tpu.memory_space<vmem>>
      %dma_wait3A_74 = arith.constant 0 : i32
      %dma_wait3A_75 = arith.constant 0 : i32
      %dma_wait3A_76 = tpu.memref_slice %arg2[%dma_wait3A_74, %dma_wait3A_75] : memref<44000x128xf32, #tpu.memory_space<hbm>> -> memref<44000x128xf32, #tpu.memory_space<hbm>>
      tpu.wait_indirect_dma semaphore(%arg12 : memref<!tpu.dma_semaphore, #tpu.memory_space<semaphore_mem>>) src(%dma_wait3A_76 : memref<44000x128xf32, #tpu.memory_space<hbm>>) dst(%arg10 : memref<128x128xf32, #tpu.memory_space<vmem>>)
      %add3A_77 = arith.constant 1 : i32
      %add3A_78 = arith.addi %mul3A_57, %add3A_77 : i32
      "tpu.region"() ({
        %run_scoped3A = tpu.sem_alloc : memref<!tpu.dma_semaphore, #tpu.memory_space<semaphore_mem>>
        %dma_start3A_86 = arith.constant 0 : i32
        %dma_start3A_87 = tpu.memref_slice %arg8[%add3A_78, %dma_start3A_86] : memref<40x128xi32, #tpu.memory_space<vmem>> -> memref<1x128xi32, #tpu.memory_space<vmem>>
        %dma_start3A_88 = tpu.memref_squeeze %dma_start3A_87 : memref<1x128xi32, #tpu.memory_space<vmem>> -> memref<128xi32, #tpu.memory_space<vmem>>
        %dma_start3A_89 = arith.constant 0 : i32
        %dma_start3A_90 = arith.constant 0 : i32
        %dma_start3A_91 = tpu.memref_slice %arg13[%dma_start3A_89, %dma_start3A_90] : memref<10000x128xf32, #tpu.memory_space<vmem_shared>> -> memref<10000x128xf32, #tpu.memory_space<vmem_shared>>
        tpu.enqueue_indirect_dma source(%arg10 : memref<128x128xf32, #tpu.memory_space<vmem>>) target(%dma_start3A_91 : memref<10000x128xf32, #tpu.memory_space<vmem_shared>>) offsets(%dma_start3A_88 : memref<128xi32, #tpu.memory_space<vmem>>) semaphore(%run_scoped3A : memref<!tpu.dma_semaphore, #tpu.memory_space<semaphore_mem>>) {add = true}
        %dma_wait3A_92 = arith.constant 0 : i32
        %dma_wait3A_93 = tpu.memref_slice %arg8[%add3A_78, %dma_wait3A_92] : memref<40x128xi32, #tpu.memory_space<vmem>> -> memref<1x128xi32, #tpu.memory_space<vmem>>
        %dma_wait3A_94 = tpu.memref_squeeze %dma_wait3A_93 : memref<1x128xi32, #tpu.memory_space<vmem>> -> memref<128xi32, #tpu.memory_space<vmem>>
        %dma_wait3A_95 = arith.constant 0 : i32
        %dma_wait3A_96 = arith.constant 0 : i32
        %dma_wait3A_97 = tpu.memref_slice %arg13[%dma_wait3A_95, %dma_wait3A_96] : memref<10000x128xf32, #tpu.memory_space<vmem_shared>> -> memref<10000x128xf32, #tpu.memory_space<vmem_shared>>
        tpu.wait_indirect_dma semaphore(%run_scoped3A : memref<!tpu.dma_semaphore, #tpu.memory_space<semaphore_mem>>) src(%arg10 : memref<128x128xf32, #tpu.memory_space<vmem>>) dst(%dma_wait3A_97 : memref<10000x128xf32, #tpu.memory_space<vmem_shared>>)
        tpu.yield
      }) : () -> ()
      %add3A_79 = arith.constant 3 : i32
      %add3A_80 = arith.addi %mul3A_57, %add3A_79 : i32
      %lt3A_81 = arith.constant 40 : i32
      %lt3A_82 = arith.cmpi slt, %add3A_80, %lt3A_81 : i32
      %convert_element_type3A_83 = arith.extui %lt3A_82 : i1 to i32
      %cond3A_84 = arith.constant 0 : i32
      %cond3A_85 = arith.cmpi ne, %convert_element_type3A_83, %cond3A_84 : i32
      scf.if %cond3A_85 {
        %add3A_86 = arith.constant 3 : i32
        %add3A_87 = arith.addi %mul3A_57, %add3A_86 : i32
        %dma_start3A_88 = arith.constant 0 : i32
        %dma_start3A_89 = tpu.memref_slice %arg7[%add3A_87, %dma_start3A_88] : memref<40x128xi32, #tpu.memory_space<vmem>> -> memref<1x128xi32, #tpu.memory_space<vmem>>
        %dma_start3A_90 = tpu.memref_squeeze %dma_start3A_89 : memref<1x128xi32, #tpu.memory_space<vmem>> -> memref<128xi32, #tpu.memory_space<vmem>>
        %dma_start3A_91 = arith.constant 0 : i32
        %dma_start3A_92 = arith.constant 0 : i32
        %dma_start3A_93 = tpu.memref_slice %arg2[%dma_start3A_91, %dma_start3A_92] : memref<44000x128xf32, #tpu.memory_space<hbm>> -> memref<44000x128xf32, #tpu.memory_space<hbm>>
        tpu.enqueue_indirect_dma source(%dma_start3A_93 : memref<44000x128xf32, #tpu.memory_space<hbm>>) target(%arg10 : memref<128x128xf32, #tpu.memory_space<vmem>>) offsets(%dma_start3A_90 : memref<128xi32, #tpu.memory_space<vmem>>) semaphore(%arg12 : memref<!tpu.dma_semaphore, #tpu.memory_space<semaphore_mem>>)
      } else {
      }
    }
    %scan3A_24 = arith.constant 20 : i32
    "tpu.region"() ({
      %run_scoped3A = tpu.sem_alloc : memref<!tpu.dma_semaphore, #tpu.memory_space<semaphore_mem>>
      %dma_start3A_55 = arith.constant 40 : i32
      %dma_start3A_56 = arith.constant 0 : i32
      %dma_start3A_57 = tpu.memref_slice %arg3[%add3A, %dma_start3A_55, %dma_start3A_56] : memref<32x80x128xi32, #tpu.memory_space<hbm>> -> memref<1x40x128xi32, #tpu.memory_space<hbm>>
      %dma_start3A_58 = tpu.memref_squeeze %dma_start3A_57 : memref<1x40x128xi32, #tpu.memory_space<hbm>> -> memref<40x128xi32, #tpu.memory_space<hbm>>
      %dma_start3A_59 = arith.constant 40 : i32
      %dma_start3A_60 = arith.constant 0 : i32
      %dma_start3A_61 = tpu.memref_slice %arg3[%add3A, %dma_start3A_59, %dma_start3A_60] : memref<32x80x128xi32, #tpu.memory_space<hbm>> -> memref<1x40x128xi32, #tpu.memory_space<hbm>>
      %dma_start3A_62 = tpu.memref_squeeze %dma_start3A_61 : memref<1x40x128xi32, #tpu.memory_space<hbm>> -> memref<40x128xi32, #tpu.memory_space<hbm>>
      tpu.enqueue_dma source(%dma_start3A_62 : memref<40x128xi32, #tpu.memory_space<hbm>>) target(%arg7 : memref<40x128xi32, #tpu.memory_space<vmem>>) target_semaphore(%run_scoped3A : memref<!tpu.dma_semaphore, #tpu.memory_space<semaphore_mem>>)
      %dma_wait3A = arith.constant 40 : i32
      %dma_wait3A_63 = arith.constant 0 : i32
      %dma_wait3A_64 = tpu.memref_slice %arg3[%add3A, %dma_wait3A, %dma_wait3A_63] : memref<32x80x128xi32, #tpu.memory_space<hbm>> -> memref<1x40x128xi32, #tpu.memory_space<hbm>>
      %dma_wait3A_65 = tpu.memref_squeeze %dma_wait3A_64 : memref<1x40x128xi32, #tpu.memory_space<hbm>> -> memref<40x128xi32, #tpu.memory_space<hbm>>
      %dma_wait3A_66 = arith.constant 40 : i32
      %dma_wait3A_67 = arith.constant 0 : i32
      %dma_wait3A_68 = tpu.memref_slice %arg3[%add3A, %dma_wait3A_66, %dma_wait3A_67] : memref<32x80x128xi32, #tpu.memory_space<hbm>> -> memref<1x40x128xi32, #tpu.memory_space<hbm>>
      %dma_wait3A_69 = tpu.memref_squeeze %dma_wait3A_68 : memref<1x40x128xi32, #tpu.memory_space<hbm>> -> memref<40x128xi32, #tpu.memory_space<hbm>>
      tpu.wait_dma2 semaphore(%run_scoped3A : memref<!tpu.dma_semaphore, #tpu.memory_space<semaphore_mem>>) src(%dma_wait3A_69 : memref<40x128xi32, #tpu.memory_space<hbm>>) dst(%arg7 : memref<40x128xi32, #tpu.memory_space<vmem>>)
      tpu.yield
    }) : () -> ()
    "tpu.region"() ({
      %run_scoped3A = tpu.sem_alloc : memref<!tpu.dma_semaphore, #tpu.memory_space<semaphore_mem>>
      %dma_start3A_55 = arith.constant 40 : i32
      %dma_start3A_56 = arith.constant 0 : i32
      %dma_start3A_57 = tpu.memref_slice %arg4[%add3A, %dma_start3A_55, %dma_start3A_56] : memref<32x80x128xi32, #tpu.memory_space<hbm>> -> memref<1x40x128xi32, #tpu.memory_space<hbm>>
      %dma_start3A_58 = tpu.memref_squeeze %dma_start3A_57 : memref<1x40x128xi32, #tpu.memory_space<hbm>> -> memref<40x128xi32, #tpu.memory_space<hbm>>
      %dma_start3A_59 = arith.constant 40 : i32
      %dma_start3A_60 = arith.constant 0 : i32
      %dma_start3A_61 = tpu.memref_slice %arg4[%add3A, %dma_start3A_59, %dma_start3A_60] : memref<32x80x128xi32, #tpu.memory_space<hbm>> -> memref<1x40x128xi32, #tpu.memory_space<hbm>>
      %dma_start3A_62 = tpu.memref_squeeze %dma_start3A_61 : memref<1x40x128xi32, #tpu.memory_space<hbm>> -> memref<40x128xi32, #tpu.memory_space<hbm>>
      tpu.enqueue_dma source(%dma_start3A_62 : memref<40x128xi32, #tpu.memory_space<hbm>>) target(%arg8 : memref<40x128xi32, #tpu.memory_space<vmem>>) target_semaphore(%run_scoped3A : memref<!tpu.dma_semaphore, #tpu.memory_space<semaphore_mem>>)
      %dma_wait3A = arith.constant 40 : i32
      %dma_wait3A_63 = arith.constant 0 : i32
      %dma_wait3A_64 = tpu.memref_slice %arg4[%add3A, %dma_wait3A, %dma_wait3A_63] : memref<32x80x128xi32, #tpu.memory_space<hbm>> -> memref<1x40x128xi32, #tpu.memory_space<hbm>>
      %dma_wait3A_65 = tpu.memref_squeeze %dma_wait3A_64 : memref<1x40x128xi32, #tpu.memory_space<hbm>> -> memref<40x128xi32, #tpu.memory_space<hbm>>
      %dma_wait3A_66 = arith.constant 40 : i32
      %dma_wait3A_67 = arith.constant 0 : i32
      %dma_wait3A_68 = tpu.memref_slice %arg4[%add3A, %dma_wait3A_66, %dma_wait3A_67] : memref<32x80x128xi32, #tpu.memory_space<hbm>> -> memref<1x40x128xi32, #tpu.memory_space<hbm>>
      %dma_wait3A_69 = tpu.memref_squeeze %dma_wait3A_68 : memref<1x40x128xi32, #tpu.memory_space<hbm>> -> memref<40x128xi32, #tpu.memory_space<hbm>>
      tpu.wait_dma2 semaphore(%run_scoped3A : memref<!tpu.dma_semaphore, #tpu.memory_space<semaphore_mem>>) src(%dma_wait3A_69 : memref<40x128xi32, #tpu.memory_space<hbm>>) dst(%arg8 : memref<40x128xi32, #tpu.memory_space<vmem>>)
      tpu.yield
    }) : () -> ()
    %dma_start3A_25 = arith.constant 0 : i32
    %dma_start3A_26 = arith.constant 0 : i32
    %dma_start3A_27 = tpu.memref_slice %arg7[%dma_start3A_25, %dma_start3A_26] : memref<40x128xi32, #tpu.memory_space<vmem>> -> memref<1x128xi32, #tpu.memory_space<vmem>>
    %dma_start3A_28 = tpu.memref_squeeze %dma_start3A_27 : memref<1x128xi32, #tpu.memory_space<vmem>> -> memref<128xi32, #tpu.memory_space<vmem>>
    %dma_start3A_29 = arith.constant 0 : i32
    %dma_start3A_30 = arith.constant 0 : i32
    %dma_start3A_31 = tpu.memref_slice %arg2[%dma_start3A_29, %dma_start3A_30] : memref<44000x128xf32, #tpu.memory_space<hbm>> -> memref<44000x128xf32, #tpu.memory_space<hbm>>
    tpu.enqueue_indirect_dma source(%dma_start3A_31 : memref<44000x128xf32, #tpu.memory_space<hbm>>) target(%arg9 : memref<128x128xf32, #tpu.memory_space<vmem>>) offsets(%dma_start3A_28 : memref<128xi32, #tpu.memory_space<vmem>>) semaphore(%arg11 : memref<!tpu.dma_semaphore, #tpu.memory_space<semaphore_mem>>)
    %dma_start3A_32 = arith.constant 1 : i32
    %dma_start3A_33 = arith.constant 0 : i32
    %dma_start3A_34 = tpu.memref_slice %arg7[%dma_start3A_32, %dma_start3A_33] : memref<40x128xi32, #tpu.memory_space<vmem>> -> memref<1x128xi32, #tpu.memory_space<vmem>>
    %dma_start3A_35 = tpu.memref_squeeze %dma_start3A_34 : memref<1x128xi32, #tpu.memory_space<vmem>> -> memref<128xi32, #tpu.memory_space<vmem>>
    %dma_start3A_36 = arith.constant 0 : i32
    %dma_start3A_37 = arith.constant 0 : i32
    %dma_start3A_38 = tpu.memref_slice %arg2[%dma_start3A_36, %dma_start3A_37] : memref<44000x128xf32, #tpu.memory_space<hbm>> -> memref<44000x128xf32, #tpu.memory_space<hbm>>
    tpu.enqueue_indirect_dma source(%dma_start3A_38 : memref<44000x128xf32, #tpu.memory_space<hbm>>) target(%arg10 : memref<128x128xf32, #tpu.memory_space<vmem>>) offsets(%dma_start3A_35 : memref<128xi32, #tpu.memory_space<vmem>>) semaphore(%arg12 : memref<!tpu.dma_semaphore, #tpu.memory_space<semaphore_mem>>)
    %scan3A_39 = arith.constant 0 : i32
    %scan3A_40 = arith.constant 0 : i32
    %scan3A_41 = arith.constant 20 : i32
    %scan3A_42 = arith.addi %scan3A_40, %scan3A_41 : i32
    %scan3A_43 = arith.constant 1 : i32
    scf.for %scan3A_55 = %scan3A_40 to %scan3A_42 step %scan3A_43  : i32 {
      %mul3A_56 = arith.constant 2 : i32
      %mul3A_57 = arith.muli %mul3A_56, %scan3A_55 : i32
      %dma_wait3A = arith.constant 0 : i32
      %dma_wait3A_58 = tpu.memref_slice %arg7[%mul3A_57, %dma_wait3A] : memref<40x128xi32, #tpu.memory_space<vmem>> -> memref<1x128xi32, #tpu.memory_space<vmem>>
      %dma_wait3A_59 = tpu.memref_squeeze %dma_wait3A_58 : memref<1x128xi32, #tpu.memory_space<vmem>> -> memref<128xi32, #tpu.memory_space<vmem>>
      %dma_wait3A_60 = arith.constant 0 : i32
      %dma_wait3A_61 = arith.constant 0 : i32
      %dma_wait3A_62 = tpu.memref_slice %arg2[%dma_wait3A_60, %dma_wait3A_61] : memref<44000x128xf32, #tpu.memory_space<hbm>> -> memref<44000x128xf32, #tpu.memory_space<hbm>>
      tpu.wait_indirect_dma semaphore(%arg11 : memref<!tpu.dma_semaphore, #tpu.memory_space<semaphore_mem>>) src(%dma_wait3A_62 : memref<44000x128xf32, #tpu.memory_space<hbm>>) dst(%arg9 : memref<128x128xf32, #tpu.memory_space<vmem>>)
      "tpu.region"() ({
        %run_scoped3A = tpu.sem_alloc : memref<!tpu.dma_semaphore, #tpu.memory_space<semaphore_mem>>
        %dma_start3A_86 = arith.constant 0 : i32
        %dma_start3A_87 = tpu.memref_slice %arg8[%mul3A_57, %dma_start3A_86] : memref<40x128xi32, #tpu.memory_space<vmem>> -> memref<1x128xi32, #tpu.memory_space<vmem>>
        %dma_start3A_88 = tpu.memref_squeeze %dma_start3A_87 : memref<1x128xi32, #tpu.memory_space<vmem>> -> memref<128xi32, #tpu.memory_space<vmem>>
        %dma_start3A_89 = arith.constant 0 : i32
        %dma_start3A_90 = arith.constant 0 : i32
        %dma_start3A_91 = tpu.memref_slice %arg13[%dma_start3A_89, %dma_start3A_90] : memref<10000x128xf32, #tpu.memory_space<vmem_shared>> -> memref<10000x128xf32, #tpu.memory_space<vmem_shared>>
        tpu.enqueue_indirect_dma source(%arg9 : memref<128x128xf32, #tpu.memory_space<vmem>>) target(%dma_start3A_91 : memref<10000x128xf32, #tpu.memory_space<vmem_shared>>) offsets(%dma_start3A_88 : memref<128xi32, #tpu.memory_space<vmem>>) semaphore(%run_scoped3A : memref<!tpu.dma_semaphore, #tpu.memory_space<semaphore_mem>>) {add = true}
        %dma_wait3A_92 = arith.constant 0 : i32
        %dma_wait3A_93 = tpu.memref_slice %arg8[%mul3A_57, %dma_wait3A_92] : memref<40x128xi32, #tpu.memory_space<vmem>> -> memref<1x128xi32, #tpu.memory_space<vmem>>
        %dma_wait3A_94 = tpu.memref_squeeze %dma_wait3A_93 : memref<1x128xi32, #tpu.memory_space<vmem>> -> memref<128xi32, #tpu.memory_space<vmem>>
        %dma_wait3A_95 = arith.constant 0 : i32
        %dma_wait3A_96 = arith.constant 0 : i32
        %dma_wait3A_97 = tpu.memref_slice %arg13[%dma_wait3A_95, %dma_wait3A_96] : memref<10000x128xf32, #tpu.memory_space<vmem_shared>> -> memref<10000x128xf32, #tpu.memory_space<vmem_shared>>
        tpu.wait_indirect_dma semaphore(%run_scoped3A : memref<!tpu.dma_semaphore, #tpu.memory_space<semaphore_mem>>) src(%arg9 : memref<128x128xf32, #tpu.memory_space<vmem>>) dst(%dma_wait3A_97 : memref<10000x128xf32, #tpu.memory_space<vmem_shared>>)
        tpu.yield
      }) : () -> ()
      %add3A_63 = arith.constant 2 : i32
      %add3A_64 = arith.addi %mul3A_57, %add3A_63 : i32
      %lt3A = arith.constant 40 : i32
      %lt3A_65 = arith.cmpi slt, %add3A_64, %lt3A : i32
      %convert_element_type3A_66 = arith.extui %lt3A_65 : i1 to i32
      %cond3A_67 = arith.constant 0 : i32
      %cond3A_68 = arith.cmpi ne, %convert_element_type3A_66, %cond3A_67 : i32
      scf.if %cond3A_68 {
        %add3A_86 = arith.constant 2 : i32
        %add3A_87 = arith.addi %mul3A_57, %add3A_86 : i32
        %dma_start3A_88 = arith.constant 0 : i32
        %dma_start3A_89 = tpu.memref_slice %arg7[%add3A_87, %dma_start3A_88] : memref<40x128xi32, #tpu.memory_space<vmem>> -> memref<1x128xi32, #tpu.memory_space<vmem>>
        %dma_start3A_90 = tpu.memref_squeeze %dma_start3A_89 : memref<1x128xi32, #tpu.memory_space<vmem>> -> memref<128xi32, #tpu.memory_space<vmem>>
        %dma_start3A_91 = arith.constant 0 : i32
        %dma_start3A_92 = arith.constant 0 : i32
        %dma_start3A_93 = tpu.memref_slice %arg2[%dma_start3A_91, %dma_start3A_92] : memref<44000x128xf32, #tpu.memory_space<hbm>> -> memref<44000x128xf32, #tpu.memory_space<hbm>>
        tpu.enqueue_indirect_dma source(%dma_start3A_93 : memref<44000x128xf32, #tpu.memory_space<hbm>>) target(%arg9 : memref<128x128xf32, #tpu.memory_space<vmem>>) offsets(%dma_start3A_90 : memref<128xi32, #tpu.memory_space<vmem>>) semaphore(%arg11 : memref<!tpu.dma_semaphore, #tpu.memory_space<semaphore_mem>>)
      } else {
      }
      %add3A_69 = arith.constant 1 : i32
      %add3A_70 = arith.addi %mul3A_57, %add3A_69 : i32
      %dma_wait3A_71 = arith.constant 0 : i32
      %dma_wait3A_72 = tpu.memref_slice %arg7[%add3A_70, %dma_wait3A_71] : memref<40x128xi32, #tpu.memory_space<vmem>> -> memref<1x128xi32, #tpu.memory_space<vmem>>
      %dma_wait3A_73 = tpu.memref_squeeze %dma_wait3A_72 : memref<1x128xi32, #tpu.memory_space<vmem>> -> memref<128xi32, #tpu.memory_space<vmem>>
      %dma_wait3A_74 = arith.constant 0 : i32
      %dma_wait3A_75 = arith.constant 0 : i32
      %dma_wait3A_76 = tpu.memref_slice %arg2[%dma_wait3A_74, %dma_wait3A_75] : memref<44000x128xf32, #tpu.memory_space<hbm>> -> memref<44000x128xf32, #tpu.memory_space<hbm>>
      tpu.wait_indirect_dma semaphore(%arg12 : memref<!tpu.dma_semaphore, #tpu.memory_space<semaphore_mem>>) src(%dma_wait3A_76 : memref<44000x128xf32, #tpu.memory_space<hbm>>) dst(%arg10 : memref<128x128xf32, #tpu.memory_space<vmem>>)
      %add3A_77 = arith.constant 1 : i32
      %add3A_78 = arith.addi %mul3A_57, %add3A_77 : i32
      "tpu.region"() ({
        %run_scoped3A = tpu.sem_alloc : memref<!tpu.dma_semaphore, #tpu.memory_space<semaphore_mem>>
        %dma_start3A_86 = arith.constant 0 : i32
        %dma_start3A_87 = tpu.memref_slice %arg8[%add3A_78, %dma_start3A_86] : memref<40x128xi32, #tpu.memory_space<vmem>> -> memref<1x128xi32, #tpu.memory_space<vmem>>
        %dma_start3A_88 = tpu.memref_squeeze %dma_start3A_87 : memref<1x128xi32, #tpu.memory_space<vmem>> -> memref<128xi32, #tpu.memory_space<vmem>>
        %dma_start3A_89 = arith.constant 0 : i32
        %dma_start3A_90 = arith.constant 0 : i32
        %dma_start3A_91 = tpu.memref_slice %arg13[%dma_start3A_89, %dma_start3A_90] : memref<10000x128xf32, #tpu.memory_space<vmem_shared>> -> memref<10000x128xf32, #tpu.memory_space<vmem_shared>>
        tpu.enqueue_indirect_dma source(%arg10 : memref<128x128xf32, #tpu.memory_space<vmem>>) target(%dma_start3A_91 : memref<10000x128xf32, #tpu.memory_space<vmem_shared>>) offsets(%dma_start3A_88 : memref<128xi32, #tpu.memory_space<vmem>>) semaphore(%run_scoped3A : memref<!tpu.dma_semaphore, #tpu.memory_space<semaphore_mem>>) {add = true}
        %dma_wait3A_92 = arith.constant 0 : i32
        %dma_wait3A_93 = tpu.memref_slice %arg8[%add3A_78, %dma_wait3A_92] : memref<40x128xi32, #tpu.memory_space<vmem>> -> memref<1x128xi32, #tpu.memory_space<vmem>>
        %dma_wait3A_94 = tpu.memref_squeeze %dma_wait3A_93 : memref<1x128xi32, #tpu.memory_space<vmem>> -> memref<128xi32, #tpu.memory_space<vmem>>
        %dma_wait3A_95 = arith.constant 0 : i32
        %dma_wait3A_96 = arith.constant 0 : i32
        %dma_wait3A_97 = tpu.memref_slice %arg13[%dma_wait3A_95, %dma_wait3A_96] : memref<10000x128xf32, #tpu.memory_space<vmem_shared>> -> memref<10000x128xf32, #tpu.memory_space<vmem_shared>>
        tpu.wait_indirect_dma semaphore(%run_scoped3A : memref<!tpu.dma_semaphore, #tpu.memory_space<semaphore_mem>>) src(%arg10 : memref<128x128xf32, #tpu.memory_space<vmem>>) dst(%dma_wait3A_97 : memref<10000x128xf32, #tpu.memory_space<vmem_shared>>)
        tpu.yield
      }) : () -> ()
      %add3A_79 = arith.constant 3 : i32
      %add3A_80 = arith.addi %mul3A_57, %add3A_79 : i32
      %lt3A_81 = arith.constant 40 : i32
      %lt3A_82 = arith.cmpi slt, %add3A_80, %lt3A_81 : i32
      %convert_element_type3A_83 = arith.extui %lt3A_82 : i1 to i32
      %cond3A_84 = arith.constant 0 : i32
      %cond3A_85 = arith.cmpi ne, %convert_element_type3A_83, %cond3A_84 : i32
      scf.if %cond3A_85 {
        %add3A_86 = arith.constant 3 : i32
        %add3A_87 = arith.addi %mul3A_57, %add3A_86 : i32
        %dma_start3A_88 = arith.constant 0 : i32
        %dma_start3A_89 = tpu.memref_slice %arg7[%add3A_87, %dma_start3A_88] : memref<40x128xi32, #tpu.memory_space<vmem>> -> memref<1x128xi32, #tpu.memory_space<vmem>>
        %dma_start3A_90 = tpu.memref_squeeze %dma_start3A_89 : memref<1x128xi32, #tpu.memory_space<vmem>> -> memref<128xi32, #tpu.memory_space<vmem>>
        %dma_start3A_91 = arith.constant 0 : i32
        %dma_start3A_92 = arith.constant 0 : i32
        %dma_start3A_93 = tpu.memref_slice %arg2[%dma_start3A_91, %dma_start3A_92] : memref<44000x128xf32, #tpu.memory_space<hbm>> -> memref<44000x128xf32, #tpu.memory_space<hbm>>
        tpu.enqueue_indirect_dma source(%dma_start3A_93 : memref<44000x128xf32, #tpu.memory_space<hbm>>) target(%arg10 : memref<128x128xf32, #tpu.memory_space<vmem>>) offsets(%dma_start3A_90 : memref<128xi32, #tpu.memory_space<vmem>>) semaphore(%arg12 : memref<!tpu.dma_semaphore, #tpu.memory_space<semaphore_mem>>)
      } else {
      }
    }
    %scan3A_44 = arith.constant 20 : i32
    %barrier3A_45 = arith.constant 0 : index
    tpu.barrier barrier_id(%barrier3A_45)
    %mul3A_46 = arith.constant 624 : i32
    %mul3A_47 = arith.muli %arg1, %mul3A_46 : i32
    %mul3A_48 = arith.constant 624 : i32
    %mul3A_49 = arith.muli %arg1, %mul3A_48 : i32
    "tpu.region"() ({
      %run_scoped3A = tpu.sem_alloc : memref<!tpu.dma_semaphore, #tpu.memory_space<semaphore_mem>>
      %dma_start3A_55 = arith.constant 0 : i32
      %dma_start3A_56 = tpu.memref_slice %arg6[%arg0, %mul3A_49, %dma_start3A_55] : memref<2x10000x128xf32, #tpu.memory_space<hbm>> -> memref<1x624x128xf32, #tpu.memory_space<hbm>>
      %dma_start3A_57 = tpu.memref_squeeze %dma_start3A_56 : memref<1x624x128xf32, #tpu.memory_space<hbm>> -> memref<624x128xf32, #tpu.memory_space<hbm>>
      %dma_start3A_58 = arith.constant 0 : i32
      %dma_start3A_59 = tpu.memref_slice %arg13[%mul3A_47, %dma_start3A_58] : memref<10000x128xf32, #tpu.memory_space<vmem_shared>> -> memref<624x128xf32, #tpu.memory_space<vmem_shared>>
      tpu.enqueue_dma source(%dma_start3A_59 : memref<624x128xf32, #tpu.memory_space<vmem_shared>>) target(%dma_start3A_57 : memref<624x128xf32, #tpu.memory_space<hbm>>) target_semaphore(%run_scoped3A : memref<!tpu.dma_semaphore, #tpu.memory_space<semaphore_mem>>)
      %dma_wait3A = arith.constant 0 : i32
      %dma_wait3A_60 = tpu.memref_slice %arg6[%arg0, %mul3A_49, %dma_wait3A] : memref<2x10000x128xf32, #tpu.memory_space<hbm>> -> memref<1x624x128xf32, #tpu.memory_space<hbm>>
      %dma_wait3A_61 = tpu.memref_squeeze %dma_wait3A_60 : memref<1x624x128xf32, #tpu.memory_space<hbm>> -> memref<624x128xf32, #tpu.memory_space<hbm>>
      %dma_wait3A_62 = arith.constant 0 : i32
      %dma_wait3A_63 = tpu.memref_slice %arg13[%mul3A_47, %dma_wait3A_62] : memref<10000x128xf32, #tpu.memory_space<vmem_shared>> -> memref<624x128xf32, #tpu.memory_space<vmem_shared>>
      tpu.wait_dma2 semaphore(%run_scoped3A : memref<!tpu.dma_semaphore, #tpu.memory_space<semaphore_mem>>) src(%dma_wait3A_63 : memref<624x128xf32, #tpu.memory_space<vmem_shared>>) dst(%dma_wait3A_61 : memref<624x128xf32, #tpu.memory_space<hbm>>)
      tpu.yield
    }) : () -> ()
    %eq3A_50 = arith.constant 15 : i32
    %eq3A_51 = arith.cmpi eq, %arg1, %eq3A_50 : i32
    %convert_element_type3A_52 = arith.extui %eq3A_51 : i1 to i32
    %cond3A_53 = arith.constant 0 : i32
    %cond3A_54 = arith.cmpi ne, %convert_element_type3A_52, %cond3A_53 : i32
    scf.if %cond3A_54 {
      "tpu.region"() ({
        %run_scoped3A = tpu.sem_alloc : memref<!tpu.dma_semaphore, #tpu.memory_space<semaphore_mem>>
        %dma_start3A_55 = arith.constant 9984 : i32
        %dma_start3A_56 = arith.constant 0 : i32
        %dma_start3A_57 = tpu.memref_slice %arg6[%arg0, %dma_start3A_55, %dma_start3A_56] : memref<2x10000x128xf32, #tpu.memory_space<hbm>> -> memref<1x16x128xf32, #tpu.memory_space<hbm>>
        %dma_start3A_58 = tpu.memref_squeeze %dma_start3A_57 : memref<1x16x128xf32, #tpu.memory_space<hbm>> -> memref<16x128xf32, #tpu.memory_space<hbm>>
        %dma_start3A_59 = arith.constant 9984 : i32
        %dma_start3A_60 = arith.constant 0 : i32
        %dma_start3A_61 = tpu.memref_slice %arg13[%dma_start3A_59, %dma_start3A_60] : memref<10000x128xf32, #tpu.memory_space<vmem_shared>> -> memref<16x128xf32, #tpu.memory_space<vmem_shared>>
        tpu.enqueue_dma source(%dma_start3A_61 : memref<16x128xf32, #tpu.memory_space<vmem_shared>>) target(%dma_start3A_58 : memref<16x128xf32, #tpu.memory_space<hbm>>) target_semaphore(%run_scoped3A : memref<!tpu.dma_semaphore, #tpu.memory_space<semaphore_mem>>)
        %dma_wait3A = arith.constant 9984 : i32
        %dma_wait3A_62 = arith.constant 0 : i32
        %dma_wait3A_63 = tpu.memref_slice %arg6[%arg0, %dma_wait3A, %dma_wait3A_62] : memref<2x10000x128xf32, #tpu.memory_space<hbm>> -> memref<1x16x128xf32, #tpu.memory_space<hbm>>
        %dma_wait3A_64 = tpu.memref_squeeze %dma_wait3A_63 : memref<1x16x128xf32, #tpu.memory_space<hbm>> -> memref<16x128xf32, #tpu.memory_space<hbm>>
        %dma_wait3A_65 = arith.constant 9984 : i32
        %dma_wait3A_66 = arith.constant 0 : i32
        %dma_wait3A_67 = tpu.memref_slice %arg13[%dma_wait3A_65, %dma_wait3A_66] : memref<10000x128xf32, #tpu.memory_space<vmem_shared>> -> memref<16x128xf32, #tpu.memory_space<vmem_shared>>
        tpu.wait_dma2 semaphore(%run_scoped3A : memref<!tpu.dma_semaphore, #tpu.memory_space<semaphore_mem>>) src(%dma_wait3A_67 : memref<16x128xf32, #tpu.memory_space<vmem_shared>>) dst(%dma_wait3A_64 : memref<16x128xf32, #tpu.memory_space<hbm>>)
        tpu.yield
      }) : () -> ()
    } else {
    }
    return
  }
}

module attributes {stable_mosaic.version = 14 : i64} {
  func.func @_transform_body(%arg0: i32, %arg1: i32, %arg2: memref<4xf32, #tpu.memory_space<smem>>, %arg3: memref<1000x128xf32, #tpu.memory_space<vmem>>, %arg4: memref<1x128x128xf32, #tpu.memory_space<vmem>>, %arg5: memref<1x1x128xf32, #tpu.memory_space<vmem>>, %arg6: memref<1x1000x128xf32, #tpu.memory_space<vmem>>) attributes {dimension_semantics = [#tpu.dimension_semantics<arbitrary>, #tpu.dimension_semantics<arbitrary>], iteration_bounds = array<i64: 4, 11>, scalar_prefetch = 0 : i64, scratch_operands = 0 : i64, tpu.core_type = #tpu.core_type<tc>, window_params = [{transform_indices = @transform_0, window_bounds = array<i64: 4>}, {transform_indices = @transform_1, window_bounds = array<i64: 1000, 128>}, {transform_indices = @transform_2, window_bounds = array<i64: 1, 128, 128>}, {transform_indices = @transform_3, window_bounds = array<i64: 1, 1, 128>}, {transform_indices = @transform_4, window_bounds = array<i64: 1, 1000, 128>}]} {
    %get3A = arith.constant 0 : index
    %get3A_0 = memref.load %arg2[%get3A] : memref<4xf32, #tpu.memory_space<smem>>
    %get3A_1 = arith.constant 1 : index
    %get3A_2 = memref.load %arg2[%get3A_1] : memref<4xf32, #tpu.memory_space<smem>>
    %get3A_3 = arith.constant 2 : index
    %get3A_4 = memref.load %arg2[%get3A_3] : memref<4xf32, #tpu.memory_space<smem>>
    %get3A_5 = arith.constant 3 : index
    %get3A_6 = memref.load %arg2[%get3A_5] : memref<4xf32, #tpu.memory_space<smem>>
    %max3A = arith.maximumf %get3A_0, %get3A_2 : f32
    %max3A_7 = arith.maximumf %get3A_4, %get3A_6 : f32
    %max3A_8 = arith.maximumf %max3A, %max3A_7 : f32
    %sub3A = arith.subf %get3A_0, %max3A_8 : f32
    %exp3A = math.exp %sub3A : f32
    %sub3A_9 = arith.subf %get3A_2, %max3A_8 : f32
    %exp3A_10 = math.exp %sub3A_9 : f32
    %add3A = arith.addf %exp3A, %exp3A_10 : f32
    %sub3A_11 = arith.subf %get3A_4, %max3A_8 : f32
    %exp3A_12 = math.exp %sub3A_11 : f32
    %add3A_13 = arith.addf %add3A, %exp3A_12 : f32
    %sub3A_14 = arith.subf %get3A_6, %max3A_8 : f32
    %exp3A_15 = math.exp %sub3A_14 : f32
    %add3A_16 = arith.addf %add3A_13, %exp3A_15 : f32
    %get3A_17 = arith.index_cast %arg0 : i32 to index
    %get3A_18 = memref.load %arg2[%get3A_17] : memref<4xf32, #tpu.memory_space<smem>>
    %sub3A_19 = arith.subf %get3A_18, %max3A_8 : f32
    %exp3A_20 = math.exp %sub3A_19 : f32
    %div3A = arith.divf %exp3A_20, %add3A_16 : f32
    %get3A_21 = arith.constant 0 : index
    %get3A_22 = arith.constant 0 : index
    %get3A_23 = vector.load %arg3[%get3A_21, %get3A_22] : memref<1000x128xf32, #tpu.memory_space<vmem>>, vector<1000x128xf32>
    %get3A_24 = arith.constant 0 : index
    %get3A_25 = arith.constant 0 : index
    %get3A_26 = arith.constant 0 : index
    %get3A_27 = vector.load %arg4[%get3A_24, %get3A_25, %get3A_26] : memref<1x128x128xf32, #tpu.memory_space<vmem>>, vector<1x128x128xf32>
    %get3A_28 = vector.shape_cast %get3A_27 : vector<1x128x128xf32> to vector<128x128xf32>
    %dot_general3A = arith.constant dense<0.000000e+00> : vector<1000x128xf32>
    %dot_general3A_29 = tpu.matmul %get3A_23, %get3A_28, %dot_general3A {dimension_numbers = #tpu.dot_dimension_numbers<[1], [1], [0], [0], [0, 0, 1, 0], [], []>, transpose_lhs_hint = false} : vector<1000x128xf32>, vector<128x128xf32>, vector<1000x128xf32> -> vector<1000x128xf32>
    %get3A_30 = arith.constant 0 : index
    %get3A_31 = arith.constant 0 : index
    %get3A_32 = arith.constant 0 : index
    %get3A_33 = vector.load %arg5[%get3A_30, %get3A_31, %get3A_32] : memref<1x1x128xf32, #tpu.memory_space<vmem>>, vector<1x1x128xf32>
    %get3A_34 = vector.shape_cast %get3A_33 : vector<1x1x128xf32> to vector<1x128xf32>
    %add3A_35 = vector.broadcast %get3A_34 : vector<1x128xf32> to vector<1000x128xf32>
    %add3A_36 = arith.addf %dot_general3A_29, %add3A_35 : vector<1000x128xf32>
    %mul3A = vector.broadcast %div3A : f32 to vector<1000x128xf32>
    %mul3A_37 = arith.mulf %add3A_36, %mul3A : vector<1000x128xf32>
    %lt3A = arith.constant 10 : i32
    %lt3A_38 = arith.cmpi slt, %arg1, %lt3A : i32
    %jit3A = arith.constant 0.000000e+00 : f32
    %broadcast_in_dim3A = vector.broadcast %jit3A : f32 to vector<1000x128xf32>
    %select_n3A = arith.select %lt3A_38, %mul3A_37, %broadcast_in_dim3A : vector<1000x128xf32>
    %swap3A = arith.constant 0 : index
    %swap3A_39 = arith.constant 0 : index
    %swap3A_40 = arith.constant 0 : index
    %swap3A_41 = vector.load %arg6[%swap3A, %swap3A_39, %swap3A_40] : memref<1x1000x128xf32, #tpu.memory_space<vmem>>, vector<1x1000x128xf32>
    %swap3A_42 = vector.shape_cast %swap3A_41 : vector<1x1000x128xf32> to vector<1000x128xf32>
    %swap3A_43 = vector.shape_cast %select_n3A : vector<1000x128xf32> to vector<1x1000x128xf32>
    tpu.vector_store %arg6[%swap3A, %swap3A_39, %swap3A_40], %swap3A_43 {strides = array<i32>} : memref<1x1000x128xf32, #tpu.memory_space<vmem>>, vector<1x1000x128xf32>,
    return
  }
  func.func @transform_0(%arg0: i32, %arg1: i32) -> i32 {
    %c0_i32 = arith.constant 0 : i32
    %c0_i32_0 = arith.constant 0 : i32
    return %c0_i32 : i32
  }
  func.func @transform_1(%arg0: i32, %arg1: i32) -> (i32, i32) {
    %min3A = arith.constant 9 : i32
    %min3A_0 = arith.minsi %arg1, %min3A : i32
    %c0_i32 = arith.constant 0 : i32
    %c0_i32_1 = arith.constant 0 : i32
    return %min3A_0, %c0_i32 : i32, i32
  }
  func.func @transform_2(%arg0: i32, %arg1: i32) -> (i32, i32, i32) {
    %c0_i32 = arith.constant 0 : i32
    %c0_i32_0 = arith.constant 0 : i32
    %c0_i32_1 = arith.constant 0 : i32
    return %arg0, %c0_i32, %c0_i32_0 : i32, i32, i32
  }
  func.func @transform_3(%arg0: i32, %arg1: i32) -> (i32, i32, i32) {
    %c0_i32 = arith.constant 0 : i32
    %c0_i32_0 = arith.constant 0 : i32
    %c0_i32_1 = arith.constant 0 : i32
    return %arg0, %c0_i32, %c0_i32_0 : i32, i32, i32
  }
  func.func @transform_4(%arg0: i32, %arg1: i32) -> (i32, i32, i32) {
    %c0_i32 = arith.constant 0 : i32
    %c0_i32_0 = arith.constant 0 : i32
    return %arg0, %arg1, %c0_i32 : i32, i32, i32
  }
}

module attributes {stable_mosaic.version = 14 : i64} {
  func.func @_combine_body(%arg0: i32, %arg1: memref<2x1000x128xf32, #tpu.memory_space<vmem>>, %arg2: memref<1x1000x128xf32, #tpu.memory_space<vmem>>, %arg3: memref<1000x128xf32, #tpu.memory_space<vmem>>) attributes {dimension_semantics = [#tpu.dimension_semantics<arbitrary>], iteration_bounds = array<i64: 10>, scalar_prefetch = 0 : i64, scratch_operands = 0 : i64, tpu.core_type = #tpu.core_type<tc>, window_params = [{transform_indices = @transform_0, window_bounds = array<i64: 2, 1000, 128>}, {transform_indices = @transform_1, window_bounds = array<i64: 1, 1000, 128>}, {transform_indices = @transform_2, window_bounds = array<i64: 1000, 128>}]} {
    %get3A = arith.constant 0 : index
    %get3A_0 = arith.constant 0 : index
    %get3A_1 = arith.constant 0 : index
    %get3A_2 = vector.load %arg1[%get3A, %get3A_0, %get3A_1] : memref<2x1000x128xf32, #tpu.memory_space<vmem>>, vector<1x1000x128xf32>
    %get3A_3 = vector.shape_cast %get3A_2 : vector<1x1000x128xf32> to vector<1000x128xf32>
    %get3A_4 = arith.constant 1 : index
    %get3A_5 = arith.constant 0 : index
    %get3A_6 = arith.constant 0 : index
    %get3A_7 = vector.load %arg1[%get3A_4, %get3A_5, %get3A_6] : memref<2x1000x128xf32, #tpu.memory_space<vmem>>, vector<1x1000x128xf32>
    %get3A_8 = vector.shape_cast %get3A_7 : vector<1x1000x128xf32> to vector<1000x128xf32>
    %add3A = arith.addf %get3A_3, %get3A_8 : vector<1000x128xf32>
    %get3A_9 = arith.constant 0 : index
    %get3A_10 = arith.constant 0 : index
    %get3A_11 = arith.constant 0 : index
    %get3A_12 = vector.load %arg2[%get3A_9, %get3A_10, %get3A_11] : memref<1x1000x128xf32, #tpu.memory_space<vmem>>, vector<1x1000x128xf32>
    %get3A_13 = vector.shape_cast %get3A_12 : vector<1x1000x128xf32> to vector<1000x128xf32>
    %add3A_14 = arith.addf %add3A, %get3A_13 : vector<1000x128xf32>
    %mul3A = arith.constant 5.000000e-01 : f32
    %mul3A_15 = vector.broadcast %mul3A : f32 to vector<1000x128xf32>
    %mul3A_16 = arith.mulf %mul3A_15, %add3A_14 : vector<1000x128xf32>
    %mul3A_17 = arith.constant 0.707106769 : f32
    %mul3A_18 = vector.broadcast %mul3A_17 : f32 to vector<1000x128xf32>
    %mul3A_19 = arith.mulf %add3A_14, %mul3A_18 : vector<1000x128xf32>
    %erf3A = math.erf %mul3A_19 : vector<1000x128xf32>
    %add3A_20 = arith.constant 1.000000e+00 : f32
    %add3A_21 = vector.broadcast %add3A_20 : f32 to vector<1000x128xf32>
    %add3A_22 = arith.addf %add3A_21, %erf3A : vector<1000x128xf32>
    %mul3A_23 = arith.mulf %mul3A_16, %add3A_22 : vector<1000x128xf32>
    %swap3A = arith.constant 0 : index
    %swap3A_24 = arith.constant 0 : index
    %swap3A_25 = vector.load %arg3[%swap3A, %swap3A_24] : memref<1000x128xf32, #tpu.memory_space<vmem>>, vector<1000x128xf32>
    tpu.vector_store %arg3[%swap3A, %swap3A_24], %mul3A_23 {strides = array<i32>} : memref<1000x128xf32, #tpu.memory_space<vmem>>, vector<1000x128xf32>,
    return
  }
  func.func @transform_0(%arg0: i32) -> (i32, i32, i32) {
    %c0_i32 = arith.constant 0 : i32
    %c0_i32_0 = arith.constant 0 : i32
    %c0_i32_1 = arith.constant 0 : i32
    return %c0_i32, %arg0, %c0_i32_0 : i32, i32, i32
  }
  func.func @transform_1(%arg0: i32) -> (i32, i32, i32) {
    %c3_i32 = arith.constant 3 : i32
    %c0_i32 = arith.constant 0 : i32
    %c0_i32_0 = arith.constant 0 : i32
    return %c3_i32, %arg0, %c0_i32 : i32, i32, i32
  }
  func.func @transform_2(%arg0: i32) -> (i32, i32) {
    %c0_i32 = arith.constant 0 : i32
    %c0_i32_0 = arith.constant 0 : i32
    return %arg0, %c0_i32 : i32, i32
  }
}

</mosaic_0001>

<sc_bundles>
// kernel: kernel.5.cloned.1.call-start
scs
__scs_entry_jumppad:
0x0: {  	(pc) =	sbr.rel $0x88, $3  }
0x1: {  	(tag) =	ssettag $0x0;
	lr =	simm.s32 $0x1  }
0x2: {  	[smem:$0x3F95] =	sst lr;
	_ =	strace $0xD0000000  }
0x3: {  	_ = 	snop  }
0x4: {  	_ = 	snop  }
0x5: {  	_ = 	snop  }
0x6: {  	_ = 	snop  }
0x7: {  	_ = 	snop  }
__scs_overlays_trampoline_lowered:
0x8: {  	[smem:$0x3FA4] =	sst s0  }
0x9: {  	[smem:$0x3FA5] =	sst s1  }
0xa: {  	[smem:$0x3FA6] =	sst s2  }
0xb: {  	[smem:$0x3FA7] =	sst s3  }
0xc: {  	[smem:$0x3FA8] =	sst s4  }
0xd: {  	[smem:$0x3FA9] =	sst s5  }
0xe: {  	[smem:$0x3FAA] =	sst s6  }
0xf: {  	[smem:$0x3FAB] =	sst s7  }
0x10: {  	[smem:$0x3FAC] =	sst s8  }
0x11: {  	[smem:$0x3FAD] =	sst s9;
	s0 =	simm.s32 @!p0 $0x0  }
0x12: {  	s1 =	sld [smem:$0x3F93];
	s0 =	simm.s32 @p0 $0x1  }
0x13: {  	[smem:$0x3FAE] =	sst s0;
	s0 =	simm.s32 @!p1 $0x0  }
0x14: {  	s2 =	sld [smem:$0x3F92];
	s0 =	simm.s32 @p1 $0x1  }
0x15: {  	[smem:$0x3FAF] =	sst s0;
	s0 =	simm.s32 @!p2 $0x0  }
0x16: {  	s3 =	sld [smem:$0x3FDB];
	s0 =	simm.s32 @p2 $0x1  }
0x17: {  	s4 =	simm.s32 $0x1BF5;
	[smem:$0x3FB1] =	sst s0  }
0x18: {  	s0 =	sld [smem:$0x3F94];
	_ =	swait.ge [sflag:s4], $0x0  }
0x19: {  	s7 =	sld [smem:$0x3F95]  }
0x1a: {  	s8 =	sadd.s32 $0xFFFFE003, lr  }
0x1b: {  	s9 =	sadd.s32 $0xFFFFFEF7, lr;
	s5 =	simm.s32 $0xFFFFFFFF;
	p2 =	slt.u32 s8, $0xFFFFF086  }
0x1c: {  	p1 =	slt.u32 s9, $0xF7A;
	s5 =	simm.s32 @!p2 $0x0  }
0x1d: {  	s5 =	simm.s32 @p1 $0x1;
	p0 =	seq.s32 s7, s2  }
0x1e: {  	s7 =	smul.u32 @!p0 $0xF7A, s2;
	p2 =	seq.s32 @!p0 s5, $0x0  }
0x1f: {  	s9 =	smul.u32 $0xF7A, s1;
	s8 =	simm.s32 @!p0 $0x1BF5;
	p2 =	por !p2, p0  }
0x20: {  	[sflag:s8] =	ssyncset.s32 @!p0 $0xFFFFF086;
	s6 =	sadd.s32 @!p0 s3, s7;
	s7 =	simm.s32 @!p0 $0x108  }
0x21: {  	s3 =	sadd.s32 s3, s9;
	s6 =	sadd.s32 @!p0 $0x88, s6;
	s7 =	simm.s32 @p2 $0x1082  }
0x22: {  	[simem:s7], [sflag:s8] =	dma.local @!p0 [hbm:s6], $0xF7A  }
0x23: {  	s9 =	sor.u32 $0xD0000000, s2;
	s6 =	simm.s32 $0x108;
	_ =	swait.ge @!p0 [sflag:s8], $0x0  }
0x24: {  	s3 =	sadd.s32 $0x88, s3;
	s6 =	simm.s32 @!p1 $0x1082;
	[sflag:s4] =	ssyncset.s32 $0xFFFFF086  }
0x25: {  	[simem:s6], [sflag:s4] =	dma.local [hbm:s3], $0xF7A  }
0x26: {  	[smem:$0x3F95] =	sst s1;
	(tag) =	ssettag s2;
	_ =	strace s9  }
0x27: {  	s1 =	sld [smem:$0x3FA5]  }
0x28: {  	s2 =	sld [smem:$0x3FA6]  }
0x29: {  	s4 =	sld [smem:$0x3FA8]  }
0x2a: {  	p0 =	seq.s32 s5, $0x0;
	s5 =	sld [smem:$0x3FA9]  }
0x2b: {  	s6 =	sld [smem:$0x3FAA]  }
0x2c: {  	s7 =	sld [smem:$0x3FAB]  }
0x2d: {  	s3 =	simm.s32 $0x108;
	s8 =	sld [smem:$0x3FAC]  }
0x2e: {  	s3 =	simm.s32 @!p0 $0x1082;
	s9 =	sld [smem:$0x3FAD]  }
0x2f: {  	lr =	sadd.s32 s0, s3;
	s0 =	sld [smem:$0x3FA4]  }
0x30: {  	s3 =	sld [smem:$0x3FA7]  }
0x31: {  	[smem:$0x3FB0] =	sst s10  }
0x32: {  	s10 =	sld [smem:$0x3FAE];
	_ =	sdelay $0x3  }
0x33: {  	p0 =	seq.s32 s10, $0x1;
	s10 =	sld [smem:$0x3FB0];
	_ =	sdelay $0x3  }
0x34: {  	[smem:$0x3FB0] =	sst s10  }
0x35: {  	s10 =	sld [smem:$0x3FAF];
	_ =	sdelay $0x3  }
0x36: {  	p1 =	seq.s32 s10, $0x1;
	s10 =	sld [smem:$0x3FB0];
	_ =	sdelay $0x3  }
0x37: {  	[smem:$0x3FB0] =	sst s10  }
0x38: {  	s10 =	sld [smem:$0x3FB1]  }
0x39: {  	_ = 	snop;
	(pc) =	sbr.ind lr, $3  }
0x3a: {  	_ = 	snop  }
0x3b: {  	_ = 	snop  }
0x3c: {  	p2 =	seq.s32 s10, $0x1;
	s10 =	sld [smem:$0x3FB0]  }
0x3d: {  	_ =	shalt  }
0x3e: {  	_ =	shalt  }
0x3f: {  	_ =	shalt  }
0x40: {  	_ =	shalt  }
0x41: {  	_ =	shalt  }
0x42: {  	_ =	shalt  }
0x43: {  	_ =	shalt  }
0x44: {  	_ =	shalt  }
0x45: {  	_ =	shalt  }
0x46: {  	_ =	shalt  }
0x47: {  	_ =	shalt  }
0x48: {  	_ =	shalt  }
0x49: {  	_ =	shalt  }
0x4a: {  	_ =	shalt  }
0x4b: {  	_ =	shalt  }
0x4c: {  	_ =	shalt  }
0x4d: {  	_ =	shalt  }
0x4e: {  	_ =	shalt  }
0x4f: {  	_ =	shalt  }
0x50: {  	_ =	shalt  }
0x51: {  	_ =	shalt  }
0x52: {  	_ =	shalt  }
0x53: {  	_ =	shalt  }
0x54: {  	_ =	shalt  }
0x55: {  	_ =	shalt  }
0x56: {  	_ =	shalt  }
0x57: {  	_ =	shalt  }
0x58: {  	_ =	shalt  }
0x59: {  	_ =	shalt  }
0x5a: {  	_ =	shalt  }
0x5b: {  	_ =	shalt  }
0x5c: {  	_ =	shalt  }
0x5d: {  	_ =	shalt  }
0x5e: {  	_ =	shalt  }
0x5f: {  	_ =	shalt  }
0x60: {  	_ =	shalt  }
0x61: {  	_ =	shalt  }
0x62: {  	_ =	shalt  }
0x63: {  	_ =	shalt  }
0x64: {  	_ =	shalt  }
0x65: {  	_ =	shalt  }
0x66: {  	_ =	shalt  }
0x67: {  	_ =	shalt  }
0x68: {  	_ =	shalt  }
0x69: {  	_ =	shalt  }
0x6a: {  	_ =	shalt  }
0x6b: {  	_ =	shalt  }
0x6c: {  	_ =	shalt  }
0x6d: {  	_ =	shalt  }
0x6e: {  	_ =	shalt  }
0x6f: {  	_ =	shalt  }
0x70: {  	_ =	shalt  }
0x71: {  	_ =	shalt  }
0x72: {  	_ =	shalt  }
0x73: {  	_ =	shalt  }
0x74: {  	_ =	shalt  }
0x75: {  	_ =	shalt  }
0x76: {  	_ =	shalt  }
0x77: {  	_ =	shalt  }
0x78: {  	_ =	shalt  }
0x79: {  	_ =	shalt  }
0x7a: {  	_ =	shalt  }
0x7b: {  	_ =	shalt  }
0x7c: {  	_ =	shalt  }
0x7d: {  	_ =	shalt  }
0x7e: {  	_ =	shalt  }
0x7f: {  	_ =	shalt  }
0x80: {  	_ =	shalt  }
0x81: {  	_ =	shalt  }
0x82: {  	_ =	shalt  }
0x83: {  	_ =	shalt  }
0x84: {  	_ =	shalt  }
0x85: {  	_ =	shalt  }
0x86: {  	_ =	shalt  }
0x87: {  	_ =	shalt  }
.Lfunc_end0:
.L_simem_size_0:
called_computation_lowered:
.L_overlay_start_0:
0x88: {  	s2 =	sld [smem:$0x3FD9]  }
0x89: {  	s3 =	sld [smem:$0x3FFE];
	_ =	sdelay $0x1  }
0x8a: {  	s1 =	srdreg.scid  }
0x8b: {  	s0 =	sand.u32 $0x1, s1  }
0x8c: {  	s17 =	sshll.u32 s0, $0xA;
	s2 =	sadd.s32 s3, s2  }
0x8d: {  	s2 =	sadd.s32 s2, s17  }
0x8e: {  	[smem:$0x3FBC] =	sst s2  }
0x8f: {  	_ = 	snop  }
0x90: {  	s2 =	sld [smem:$0x3FD0];
	(tm) =	ssettm $0x1  }
0x91: {  	s18 =	sld [smem:$0x3FFB];
	_ =	sdelay $0x3  }
0x92: {  	_ =	strace s18  }
0x93: {  	s3 =	sld [smem:$0x3FFC];
	_ =	sdelay $0x3  }
0x94: {  	_ =	strace s3  }
0x95: {  	s3 =	sld [smem:$0x3FFD];
	_ =	sdelay $0x3  }
0x96: {  	_ =	strace s3  }
0x97: {  	_ =	strace $0x8FFFFFFF  }
0x98: {  	s19 =	sld [smem:$0x3FDB];
	_ =	sdelay $0x1  }
0x99: {  	s4 =	simm.s32 $_scs_section_size  }
0x9a: {  	s5 =	simm.s32 $_size__tile_overlayer_lowered;
	s6 =	simm.s32 $_tile_overlayer_lowered  }
0x9b: {  	s22 =	simm.s32 $0x1BFF;
	s21 =	sshll.u32 s6, $0x1;
	s3 =	sadd.s32 s4, s19  }
0x9c: {  	s7 =	simm.s32 $0x0;
	s20 =	sshll.u32 s5, $0x1;
	s5 =	sadd.s32 s21, s3  }
0x9d: {  	[timem:s7], [sflag:s22] =	dma.local [hbm:s5], s20  }
0x9e: {  	_ =	swait.ge [sflag:s22], s20  }
0x9f: {  	s4 =	ssub.s32 $0x0, s20;
	[sflag:s22] =	ssyncset.done $0x0  }
0xa0: {  	[sflag:s22] =	ssyncadd.s32 s4;
	_ =	sdelay $0x1  }
0xa1: {  	s23 =	simm.s32 $0x1B8B  }
0xa2: {  	_ =	swait.ge [sflag:s23], $0x1  }
0xa3: {  	[sflag:s23] =	ssyncset.done $0x0  }
0xa4: {  	s25 =	simm.s32 $0x1B8E;
	s24 =	sld [smem:$0x3FFE];
	[sflag:s23] =	ssyncadd.s32 $0xFFFFFFFF  }
0xa5: {  	s26 =	simm.s32 $execute0_lowered;
	[smem:$0x3FD2] =	sst s25  }
0xa6: {  	s5 =	sshll.u32 s26, $0x1;
	_ =	strace $0x80000046;
	[dreg:$0x1] =	wrdreg $0xFFFFFFFF  }
0xa7: {  	s28 =	simm.s32 $_size_execute0_lowered;
	s3 =	sadd.s32 s3, s5;
	[dreg:$0x0] =	wrdreg $0x0  }
0xa8: {  	s5 =	sshll.u32 s28, $0x1;
	[dreg:$0x2] =	wrdreg s3  }
0xa9: {  	[dreg:$0x3] =	wrdreg s5  }
0xaa: {  	[dreg:$0x4] =	wrdreg $0xC0  }
0xab: {  	_ =	task [dreg:s7], $0x5FFFF  }
0xac: {  	[dreg:$0x1] =	wrdreg $0xFFFFFFFF  }
0xad: {  	[dreg:$0x0] =	wrdreg $0x60  }
0xae: {  	[dreg:$0x2] =	wrdreg s24  }
0xaf: {  	[dreg:$0x3] =	wrdreg s2  }
0xb0: {  	[dreg:$0x4] =	wrdreg $0xA8000  }
0xb1: {  	[dreg:$0x5] =	wrdreg $0x9  }
0xb2: {  	_ =	task.clear_ibuf [dreg:s7], $0x6FFFF;
	_ =	strace $0x90000046  }
0xb3: {  	s29 =	simm.s32 $0x9;
	_ =	strace $0x80000048  }
0xb4: {  	_ =	swait.ge [sflag:s29], $0x1  }
0xb5: {  	[sflag:s29] =	ssyncadd.s32 $0xFFFFFFFF  }
0xb6: {  	_ =	strace $0x90000048  }
0xb7: {  	_ =	sfence  }
0xb8: {  	s30 =	sld [smem:$0x0];
	_ =	sdelay $0x2  }
0xb9: {  	s31 =	sshll.u32 s1, $0xD;
	s1 =	sshrl.u32 s1, $0x2  }
0xba: {  	s3 =	sand.u32 $0x4000, s31;
	s1 =	sadd.s32 s1, s30  }
0xbb: {  	s0 =	sor.u32 s3, s0;
	s1 =	sshll.u32 s1, $0x11  }
0xbc: {  	s0 =	sor.u32 s1, s0  }
0xbd: {  	s0 =	sadd.s32 $0x8F2B, s0  }
0xbe: {  	[sflag:s0] =	ssyncadd.remote.s32 $0x1  }
0xbf: {  	_ =	sfence.sel $0xFFFF  }
0xc0: {  	[dreg:$0x0] =	wrdreg $0xFFFFFFFF;
	(pc) =	sbr.abs _section_cstart, $3  }
0xc1: {  	[dreg:$0x1] =	wrdreg $0xFFFFFFFF  }
0xc2: {  	_ =	task.clear_ibuf [dreg:s7], $0x2FFFF;
	_ =	strace $0x9FFFFFFF  }
0xc3: {  	(tm) =	ssettm $0x7FFFFFFF  }
tec
execute0_lowered:
.L_overlay_start_1:
0x0: {  	(tag) =	ssettag $0x1  }
0x1: {  	s5 =	rddreg [dreg:$0x0]  }
0x2: {  	s7 =	rddreg [dreg:$0x1]  }
0x3: {  	s1 =	rddreg [dreg:$0x2]  }
0x4: {  	s0 =	rddreg [dreg:$0x3];
	s2 =	simm.s32 $0x0;
	s6 =	srdreg.scid  }
0x5: {  	s3 =	stileid.u32;
	s19 =	simm.s32 $0x80;
	s20 =	simm.s32 $0x2800  }
0x6: {  	s21 =	simm.s32 $0x6800;
	s22 =	simm.s32 $0x1;
	s23 =	simm.s32 $0x2  }
0x7: {  	s24 =	simm.s32 $0x2700;
	[smem:$0x7FF] =	sst s2;
	s4 =	sadd.s32 $0x15A00, s5  }
0x8: {  	s10 =	sadd.s32 $0xBA00, s5;
	s8 =	sand.u32 $0x1, s6;
	s9 =	smul.u32 $0x4E000, s3  }
0x9: {  	s11 =	sadd.s32 $0x1A00, s5;
	s14 =	smul.u32 $0x13800, s3;
	s15 =	sadd.s32 $0xC1800, s5  }
0xa: {  	s30 =	sshll.u32 s3, $0x6;
	s18 =	sadd.s32 $0x138000, s1;
	p0 =	sne.s32 s3, $0xF  }
0xb: {  	_ =	strace $0x80000047;
	s6 =	ssub.s32 $0x2, s8;
	s13 =	sshll.u32 s8, $0x4  }
0xc: {  	s31 =	smul.u32 $0x138800, s8;
	s12 =	sshrl.u32 s6, $0x1;
	s25 =	sor.u32 s3, s13  }
0xd: {  	s26 =	sshrl.u32 s9, $0x2;
	s28 =	sshrl.u32 s14, $0x3;
	s16 =	ssub.s32 s6, s12  }
0xe: {  	s29 =	smul.u32 $0x2800, s25;
	s17 =	sadd.s32 s26, s1;
	s5 =	sadd.s32 s7, s28  }
0xf: {  	s6 =	sor.u32 $0x1C03, s30;
	s7 =	sadd.s32 $0x27000, s7;
	s14 =	sadd.s32 s14, s31  }
0x10: {  	s13 =	sshrl.u32 s31, $0x3;
	s25 =	simm.s32 $0x2780;
	s26 =	simm.s32 $0x0  }
0x11: {  	s14 =	sshrl.u32 s14, $0x3;
	s13 =	sadd.s32 s15, s13;
	s12 =	sshrl.u32 s29, $0x3  }
0x12: {  	s8 =	sadd.s32 s10, s12;
	s9 =	sadd.s32 s11, s12;
	s12 =	sadd.s32 $0x280, s12  }
0x13: {  	s13 =	sadd.s32 $0x27000, s13;
	s10 =	sadd.s32 s10, s12;
	s11 =	sadd.s32 s11, s12  }
0x14: {  	s12 =	sadd.s32 s15, s14;
	s14 =	smax.u32 s16, $0x1;
	s15 =	sshrl.u32 s17, $0x3  }
0x15: {  	s16 =	simm.s32 $0x3;
	s17 =	sshrl.u32 @!p0 s18, $0x3;
	s18 =	simm.s32 $0x1400  }
.LBB2_1:
0x16: {  	[spmem:s15], [sflag:s6] =	dma.local [hbm:s5], $0x2700  }
0x17: {  	_ =	swait.ge [sflag:s16], $0x2700  }
0x18: {  	[sflag:s16] =	ssyncset.done $0x0  }
0x19: {  	s28 =	simm.s32 @!p0 $0x3;
	[sflag:s16] =	ssyncadd.s32 $0xFFFFD900  }
0x1a: {  	[spmem:s17], [sflag:s6] =	dma.local @!p0 [hbm:s7], $0x100  }
0x1b: {  	_ =	swait.ge @!p0 [sflag:s28], $0x100  }
0x1c: {  	[sflag:s28] =	ssyncset.done @!p0 $0x0  }
0x1d: {  	[sflag:s28] =	ssyncadd.s32 @!p0 $0xFFFFFF00  }
0x1e: {  	[bflag:$0x0] =	sbarrier.arrive $0xFFFF  }
0x1f: {  	[tilespmem:s2], [sflag:$0x3] =	stream.linear.gather [hbm4b:s8+s2], $0x1400, $0x38;
	[tilespmem:$0x1E080] =	vst v63  }
0x20: {  	_ =	swait.ge [sflag:s16], $0x1400  }
0x21: {  	[sflag:s16] =	ssyncset.done $0x0  }
0x22: {  	[sflag:s16] =	ssyncadd.s32 $0xFFFFEC00  }
0x23: {  	[tilespmem:s18], [sflag:$0x3] =	stream.linear.gather [hbm4b:s9+s2], $0x1400, $0x38;
	[tilespmem:$0x1E080] =	vst v63  }
0x24: {  	_ =	swait.ge [sflag:s16], $0x1400  }
0x25: {  	[sflag:s16] =	ssyncset.done $0x0  }
0x26: {  	[sflag:s16] =	ssyncadd.s32 $0xFFFFEC00  }
0x27: {  	[tilespmem:s20], [sflag:$0x1] =	stream.indirect.gather [hbm4b:s4+s19], $0x80, s2, s19, $0xb8;
	[tilespmem:$0x1E080] =	vst v63  }
0x28: {  	_ = 	snop  }
0x29: {  	[tilespmem:s21], [sflag:$0x2] =	stream.indirect.gather [hbm4b:s4+s19], $0x80, s19, s19, $0xb8;
	[tilespmem:$0x1E080] =	vst v63  }
0x2a: {  	_ =	swait.ge [sflag:s22], $0x4000  }
0x2b: {  	[sflag:s22] =	ssyncset.done $0x0  }
0x2c: {  	s28 =	simm.s32 $0x1400;
	[sflag:s22] =	ssyncadd.s32 $0xFFFFC000  }
0x2d: {  	[spmem:s1] =	stream.indirect.scatter.add.f32 [tilespmem:s20], [sflag:$0x3], $0x80, s28, s19, $0xb8;
	[tilespmem:$0x1E080] =	vst v63  }
0x2e: {  	_ =	swait.ge [sflag:s16], $0x4000  }
0x2f: {  	[sflag:s16] =	ssyncset.done $0x0  }
0x30: {  	s28 =	simm.s32 $0x100;
	[sflag:s16] =	ssyncadd.s32 $0xFFFFC000  }
0x31: {  	[tilespmem:s20], [sflag:$0x1] =	stream.indirect.gather [hbm4b:s4+s19], $0x80, s28, s19, $0xb8;
	[tilespmem:$0x1E080] =	vst v63  }
0x32: {  	_ =	swait.ge [sflag:s23], $0x4000  }
0x33: {  	[sflag:s23] =	ssyncset.done $0x0  }
0x34: {  	s28 =	simm.s32 $0x1480;
	[sflag:s23] =	ssyncadd.s32 $0xFFFFC000  }
0x35: {  	[spmem:s1] =	stream.indirect.scatter.add.f32 [tilespmem:s21], [sflag:$0x3], $0x80, s28, s19, $0xb8;
	[tilespmem:$0x1E080] =	vst v63  }
0x36: {  	_ =	swait.ge [sflag:s16], $0x4000  }
0x37: {  	[sflag:s16] =	ssyncset.done $0x0  }
0x38: {  	s29 =	simm.s32 $0x180;
	s28 =	simm.s32 $0x400;
	[sflag:s16] =	ssyncadd.s32 $0xFFFFC000  }
.LBB2_2:
0x39: {  	[tilespmem:s21], [sflag:$0x2] =	stream.indirect.gather [hbm4b:s4+s19], $0x80, s29, s19, $0xb8;
	[tilespmem:$0x1E080] =	vst v63  }
0x3a: {  	s29 =	smov.u32 s28  }
0x3b: {  	p1 =	sne.s32 s28, $0x4800;
	s28 =	sadd.s32 $0x400, s28;
	_ =	swait.ge [sflag:s22], $0x4000  }
0x3c: {  	s29 =	sshra.s32 s29, $0x2;
	[sflag:s22] =	ssyncset.done $0x0  }
0x3d: {  	s30 =	sadd.s32 $0x1400, s29;
	[sflag:s22] =	ssyncadd.s32 $0xFFFFC000  }
0x3e: {  	[spmem:s1] =	stream.indirect.scatter.add.f32 [tilespmem:s20], [sflag:$0x3], $0x80, s30, s19, $0xb8;
	[tilespmem:$0x1E080] =	vst v63  }
0x3f: {  	_ =	swait.ge [sflag:s16], $0x4000  }
0x40: {  	[sflag:s16] =	ssyncset.done $0x0  }
0x41: {  	s30 =	sadd.s32 $0x100, s29;
	[sflag:s16] =	ssyncadd.s32 $0xFFFFC000  }
0x42: {  	[tilespmem:s20], [sflag:$0x1] =	stream.indirect.gather [hbm4b:s4+s19], $0x80, s30, s19, $0xb8;
	[tilespmem:$0x1E080] =	vst v63  }
0x43: {  	_ =	swait.ge [sflag:s23], $0x4000  }
0x44: {  	[sflag:s23] =	ssyncset.done $0x0  }
.Ltmp0:
0x45: {  	s30 =	sadd.s32 $0x1480, s29;
	[sflag:s23] =	ssyncadd.s32 $0xFFFFC000;
	(pc) =	sbr.rel @p1 .LBB2_2-.Ltmp0, $4  }
0x46: {  	[spmem:s1] =	stream.indirect.scatter.add.f32 [tilespmem:s21], [sflag:$0x3], $0x80, s30, s19, $0xb8;
	[tilespmem:$0x1E080] =	vst v63  }
0x47: {  	_ =	swait.ge [sflag:s16], $0x4000  }
0x48: {  	[sflag:s16] =	ssyncset.done $0x0  }
0x49: {  	s29 =	sadd.s32 $0x180, s29;
	[sflag:s16] =	ssyncadd.s32 $0xFFFFC000  }
0x4a: {  	[tilespmem:s21], [sflag:$0x2] =	stream.indirect.gather [hbm4b:s4+s19], $0x80, s29, s19, $0xb8;
	[tilespmem:$0x1E080] =	vst v63  }
0x4b: {  	_ =	swait.ge [sflag:s22], $0x4000  }
0x4c: {  	[sflag:s22] =	ssyncset.done $0x0  }
0x4d: {  	[sflag:s22] =	ssyncadd.s32 $0xFFFFC000  }
0x4e: {  	[spmem:s1] =	stream.indirect.scatter.add.f32 [tilespmem:s20], [sflag:$0x3], $0x80, s24, s19, $0xb8;
	[tilespmem:$0x1E080] =	vst v63  }
0x4f: {  	_ =	swait.ge [sflag:s16], $0x4000  }
0x50: {  	[sflag:s16] =	ssyncset.done $0x0  }
0x51: {  	[sflag:s16] =	ssyncadd.s32 $0xFFFFC000  }
0x52: {  	_ =	swait.ge [sflag:s23], $0x4000  }
0x53: {  	[sflag:s23] =	ssyncset.done $0x0  }
0x54: {  	[sflag:s23] =	ssyncadd.s32 $0xFFFFC000  }
0x55: {  	[spmem:s1] =	stream.indirect.scatter.add.f32 [tilespmem:s21], [sflag:$0x3], $0x80, s25, s19, $0xb8;
	[tilespmem:$0x1E080] =	vst v63  }
0x56: {  	_ =	swait.ge [sflag:s16], $0x4000  }
0x57: {  	[sflag:s16] =	ssyncset.done $0x0  }
0x58: {  	s28 =	simm.s32 $0x0;
	[sflag:s16] =	ssyncadd.s32 $0xFFFFC000  }
0x59: {  	[tilespmem:s28], [sflag:$0x3] =	stream.linear.gather [hbm4b:s10+s28], $0x1400, $0x38;
	[tilespmem:$0x1E080] =	vst v63  }
0x5a: {  	_ =	swait.ge [sflag:s16], $0x1400  }
0x5b: {  	[sflag:s16] =	ssyncset.done $0x0  }
0x5c: {  	[sflag:s16] =	ssyncadd.s32 $0xFFFFEC00  }
0x5d: {  	[tilespmem:s18], [sflag:$0x3] =	stream.linear.gather [hbm4b:s11+s28], $0x1400, $0x38;
	[tilespmem:$0x1E080] =	vst v63  }
0x5e: {  	_ =	swait.ge [sflag:s16], $0x1400  }
0x5f: {  	[sflag:s16] =	ssyncset.done $0x0  }
0x60: {  	[sflag:s16] =	ssyncadd.s32 $0xFFFFEC00  }
0x61: {  	[tilespmem:s20], [sflag:$0x1] =	stream.indirect.gather [hbm4b:s4+s19], $0x80, s28, s19, $0xb8;
	[tilespmem:$0x1E080] =	vst v63  }
0x62: {  	_ = 	snop  }
0x63: {  	[tilespmem:s21], [sflag:$0x2] =	stream.indirect.gather [hbm4b:s4+s19], $0x80, s19, s19, $0xb8;
	[tilespmem:$0x1E080] =	vst v63  }
0x64: {  	_ =	swait.ge [sflag:s22], $0x4000  }
0x65: {  	[sflag:s22] =	ssyncset.done $0x0  }
0x66: {  	s28 =	simm.s32 $0x1400;
	[sflag:s22] =	ssyncadd.s32 $0xFFFFC000  }
0x67: {  	[spmem:s1] =	stream.indirect.scatter.add.f32 [tilespmem:s20], [sflag:$0x3], $0x80, s28, s19, $0xb8;
	[tilespmem:$0x1E080] =	vst v63  }
0x68: {  	_ =	swait.ge [sflag:s16], $0x4000  }
0x69: {  	[sflag:s16] =	ssyncset.done $0x0  }
0x6a: {  	s28 =	simm.s32 $0x100;
	[sflag:s16] =	ssyncadd.s32 $0xFFFFC000  }
0x6b: {  	[tilespmem:s20], [sflag:$0x1] =	stream.indirect.gather [hbm4b:s4+s19], $0x80, s28, s19, $0xb8;
	[tilespmem:$0x1E080] =	vst v63  }
0x6c: {  	_ =	swait.ge [sflag:s23], $0x4000  }
0x6d: {  	[sflag:s23] =	ssyncset.done $0x0  }
0x6e: {  	s28 =	simm.s32 $0x1480;
	[sflag:s23] =	ssyncadd.s32 $0xFFFFC000  }
0x6f: {  	[spmem:s1] =	stream.indirect.scatter.add.f32 [tilespmem:s21], [sflag:$0x3], $0x80, s28, s19, $0xb8;
	[tilespmem:$0x1E080] =	vst v63  }
0x70: {  	_ =	swait.ge [sflag:s16], $0x4000  }
0x71: {  	[sflag:s16] =	ssyncset.done $0x0  }
0x72: {  	s29 =	simm.s32 $0x180;
	s28 =	simm.s32 $0x400;
	[sflag:s16] =	ssyncadd.s32 $0xFFFFC000  }
.LBB2_4:
0x73: {  	[tilespmem:s21], [sflag:$0x2] =	stream.indirect.gather [hbm4b:s4+s19], $0x80, s29, s19, $0xb8;
	[tilespmem:$0x1E080] =	vst v63  }
0x74: {  	s29 =	smov.u32 s28  }
0x75: {  	p1 =	sne.s32 s28, $0x4800;
	s28 =	sadd.s32 $0x400, s28;
	_ =	swait.ge [sflag:s22], $0x4000  }
0x76: {  	s29 =	sshra.s32 s29, $0x2;
	[sflag:s22] =	ssyncset.done $0x0  }
0x77: {  	s30 =	sadd.s32 $0x1400, s29;
	[sflag:s22] =	ssyncadd.s32 $0xFFFFC000  }
0x78: {  	[spmem:s1] =	stream.indirect.scatter.add.f32 [tilespmem:s20], [sflag:$0x3], $0x80, s30, s19, $0xb8;
	[tilespmem:$0x1E080] =	vst v63  }
0x79: {  	_ =	swait.ge [sflag:s16], $0x4000  }
0x7a: {  	[sflag:s16] =	ssyncset.done $0x0  }
0x7b: {  	s30 =	sadd.s32 $0x100, s29;
	[sflag:s16] =	ssyncadd.s32 $0xFFFFC000  }
0x7c: {  	[tilespmem:s20], [sflag:$0x1] =	stream.indirect.gather [hbm4b:s4+s19], $0x80, s30, s19, $0xb8;
	[tilespmem:$0x1E080] =	vst v63  }
0x7d: {  	_ =	swait.ge [sflag:s23], $0x4000  }
0x7e: {  	[sflag:s23] =	ssyncset.done $0x0  }
.Ltmp1:
0x7f: {  	s30 =	sadd.s32 $0x1480, s29;
	[sflag:s23] =	ssyncadd.s32 $0xFFFFC000;
	(pc) =	sbr.rel @p1 .LBB2_4-.Ltmp1, $4  }
0x80: {  	[spmem:s1] =	stream.indirect.scatter.add.f32 [tilespmem:s21], [sflag:$0x3], $0x80, s30, s19, $0xb8;
	[tilespmem:$0x1E080] =	vst v63  }
0x81: {  	_ =	swait.ge [sflag:s16], $0x4000  }
0x82: {  	[sflag:s16] =	ssyncset.done $0x0  }
0x83: {  	s29 =	sadd.s32 $0x180, s29;
	[sflag:s16] =	ssyncadd.s32 $0xFFFFC000  }
0x84: {  	[tilespmem:s21], [sflag:$0x2] =	stream.indirect.gather [hbm4b:s4+s19], $0x80, s29, s19, $0xb8;
	[tilespmem:$0x1E080] =	vst v63  }
0x85: {  	_ =	swait.ge [sflag:s22], $0x4000  }
0x86: {  	[sflag:s22] =	ssyncset.done $0x0  }
0x87: {  	[sflag:s22] =	ssyncadd.s32 $0xFFFFC000  }
0x88: {  	[spmem:s1] =	stream.indirect.scatter.add.f32 [tilespmem:s20], [sflag:$0x3], $0x80, s24, s19, $0xb8;
	[tilespmem:$0x1E080] =	vst v63  }
0x89: {  	_ =	swait.ge [sflag:s16], $0x4000  }
0x8a: {  	[sflag:s16] =	ssyncset.done $0x0  }
0x8b: {  	[sflag:s16] =	ssyncadd.s32 $0xFFFFC000  }
0x8c: {  	_ =	swait.ge [sflag:s23], $0x4000  }
0x8d: {  	[sflag:s23] =	ssyncset.done $0x0  }
0x8e: {  	[sflag:s23] =	ssyncadd.s32 $0xFFFFC000  }
0x8f: {  	[spmem:s1] =	stream.indirect.scatter.add.f32 [tilespmem:s21], [sflag:$0x3], $0x80, s25, s19, $0xb8;
	[tilespmem:$0x1E080] =	vst v63  }
0x90: {  	_ =	swait.ge [sflag:s16], $0x4000  }
0x91: {  	[sflag:s16] =	ssyncset.done $0x0  }
0x92: {  	[sflag:s16] =	ssyncadd.s32 $0xFFFFC000  }
0x93: {  	[bflag:$0x0] =	sbarrier.arrive $0xFFFF  }
0x94: {  	[hbm:s12], [sflag:s6] =	dma.local [spmem:s15], $0x2700  }
0x95: {  	s26 =	sadd.s32 $0x1, s26;
	_ =	swait.ge [sflag:s16], $0x2700  }
0x96: {  	p1 =	sne.s32 s26, s14;
	[sflag:s16] =	ssyncset.done $0x0  }
.Ltmp2:
0x97: {  	s28 =	simm.s32 @!p0 $0x3;
	[sflag:s16] =	ssyncadd.s32 $0xFFFFD900;
	(pc) =	sbr.rel @p1 .LBB2_1-.Ltmp2, $4  }
0x98: {  	[hbm:s13], [sflag:s6] =	dma.local @!p0 [spmem:s17], $0x100  }
0x99: {  	_ =	swait.ge @!p0 [sflag:s28], $0x100  }
0x9a: {  	[sflag:s28] =	ssyncset.done @!p0 $0x0  }
0x9b: {  	[sflag:s28] =	ssyncadd.s32 @!p0 $0xFFFFFF00  }
0x9c: {  	_ =	sfence.sel $0x180000  }
0x9d: {  	[bflag:$0x0] =	sbarrier.arrive $0xFFFF  }
0x9e: {  	p0 =	sne.s32 s3, $0x0;
	_ =	strace $0x90000047  }
0x9f: {  	s0 =	sadd.s32 @!p0 $0x100000, s0;
	[bflag:$0x2] =	sbarrier.arrive $0xFFFF  }
0xa0: {  	[sflag:s0] =	ssyncadd.tile.s32 @!p0 $0x1;
	_ =	shalt  }
.Lfunc_end2:
_tile_overlayer_lowered:
.L_overlay_start_2:
0xa1: {  	(tag) =	ssettag $0x2  }
0xa2: {  	s0 =	rddreg [dreg:$0x0];
	s2 =	stileid.u32  }
0xa3: {  	s1 =	rddreg [dreg:$0x1];
	p0 =	sne.s32 s2, $0x0  }
0xa4: {  	s3 =	rddreg [dreg:$0x2];
	[bflag:$0x3] =	sbarrier.arrive $0xFFFF;
	s2 =	simm.s32 @!p0 $0x1C03  }
0xa5: {  	[timem:s3], [sflag:s2] =	dma.local @!p0 [hbm:s0], s1  }
0xa6: {  	s0 =	simm.s32 @!p0 $0x3  }
0xa7: {  	_ =	swait.ge @!p0 [sflag:s0], s1  }
0xa8: {  	s1 =	ssub.s32 @!p0 $0x0, s1;
	[sflag:s0] =	ssyncset.done @!p0 $0x0  }
0xa9: {  	[sflag:s0] =	ssyncadd.s32 @!p0 s1  }
0xaa: {  	[bflag:$0x3] =	sbarrier.arrive $0xFFFF  }
0xab: {  	_ =	shalt  }

</sc_bundles>
